<compile_context>
chip_gen: v7x
topology: tpu7x:2x2x1
jax: 0.10.2.dev20260603
libtpu: 0.0.44.dev20260713+nightly
codegen_flags: <defaults>
</compile_context>

<pallas_src>
import functools

import jax
import jax.numpy as jnp
from jax import lax
from jax.experimental import pallas as pl
from jax.experimental.pallas import tpu as pltpu
from jax.experimental.pallas import tpu_sc as plsc

D_MODEL = 1024
MAX_LEN = 8192
BATCH = 4
SEQ = 8192
B_TOTAL = BATCH * SEQ
NUM_WORKERS = 32
B_PER_W = B_TOTAL // NUM_WORKERS
W_PER_BATCH = SEQ // B_PER_W
NB = 8
CHUNK = 8
DEFER = 4
NCHUNKS = B_PER_W // CHUNK
NROUNDS = NCHUNKS // NB


def _sc_gather(pe, positions):
    mesh = plsc.VectorSubcoreMesh(core_axis_name="c", subcore_axis_name="s")
    num_cores = mesh.num_cores

    @functools.partial(
        pl.kernel,
        out_type=jax.ShapeDtypeStruct((BATCH, SEQ, D_MODEL), jnp.float32),
        mesh=mesh,
        scratch_types=[
            pltpu.VMEM((B_PER_W,), jnp.int32),
            pltpu.VMEM((NB, CHUNK, D_MODEL), jnp.float32),
            [pltpu.SemaphoreType.DMA] * NB,
            [pltpu.SemaphoreType.DMA] * NB,
            pltpu.SemaphoreType.DMA,
        ],
    )
    def k(pe_hbm, idx_hbm, out_hbm, idx_v, bufs, gsems, wsems, isem):
        wid = lax.axis_index("s") * num_cores + lax.axis_index("c")
        brow = wid // W_PER_BATCH
        boff = (wid % W_PER_BATCH) * B_PER_W
        head = 128
        pltpu.sync_copy(idx_hbm.at[brow, pl.ds(boff, head)],
                        idx_v.at[pl.ds(0, head)])
        tail = pltpu.async_copy(
            idx_hbm.at[brow, pl.ds(boff + head, B_PER_W - head)],
            idx_v.at[pl.ds(head, B_PER_W - head)], isem)

        def gather(g, s):
            return pltpu.async_copy(
                pe_hbm.at[idx_v.at[pl.ds(g * CHUNK, CHUNK)]], bufs.at[s],
                gsems[s])

        def wait_gather(g, s):
            pltpu.make_async_copy(
                pe_hbm.at[idx_v.at[pl.ds(g * CHUNK, CHUNK)]], bufs.at[s],
                gsems[s]).wait()

        def write(g, s):
            return pltpu.async_copy(
                bufs.at[s],
                out_hbm.at[brow, pl.ds(boff + g * CHUNK, CHUNK)], wsems[s])

        def wait_write(g, s):
            pltpu.make_async_copy(
                bufs.at[s],
                out_hbm.at[brow, pl.ds(boff + g * CHUNK, CHUNK)],
                wsems[s]).wait()

        for s in range(NB):
            gather(s, s)
        tail.wait()

        def body(t, carry):
            g0 = NB * t
            for s in range(NB):
                g = g0 + s
                wait_gather(g, s)
                write(g, s)
                h = g - DEFER

                @pl.when(jnp.logical_and(h >= 0, h + NB < NCHUNKS))
                def _():
                    hs = (s - DEFER) % NB
                    wait_write(h, hs)
                    gather(h + NB, hs)

            return carry

        lax.fori_loop(0, NROUNDS, body, 0)

        for s in range(NB):
            wait_write(NCHUNKS - NB + s, s)

    return k(pe, positions)


def kernel(positions, pe):
    return _sc_gather(pe, positions.astype(jnp.int32))

# --- scband reference (transcript-rebuilt; emitter-appended) ---
"""Pipeline reference for scband-positional-encoding-15066745274634 (READ-ONLY COPY).

The authoritative reference and input builder live on the scoring server;
editing this copy changes nothing except your own understanding.
"""

import jax, jax.numpy as jnp
import numpy as np

D_MODEL = 1024
MAX_LEN = 8192


def make_pe(max_len, d_model):
    position = jnp.arange(0, max_len, dtype=jnp.float32)[:, None]
    div_term = jnp.exp(jnp.arange(0, d_model, 2, dtype=jnp.float32) * (-(np.log(10000.0) / d_model)))
    pe = jnp.zeros((max_len, d_model), dtype=jnp.float32)
    pe = pe.at[:, 0::2].set(jnp.sin(position * div_term))
    pe = pe.at[:, 1::2].set(jnp.cos(position * div_term))
    return pe


def setup_inputs(seed: int = 0) -> dict:
    key = jax.random.key(seed)
    positions = jax.random.randint(key, (4, 8192), 0, MAX_LEN, dtype=jnp.int64 if jax.config.jax_enable_x64 else jnp.int32)
    pe = make_pe(MAX_LEN, D_MODEL)
    return {"positions": positions, "pe": pe}


def reference(positions, pe):
    # pe buffer has leading batch dim of 1 in torch; here pe is [max_len, d_model].
    # forward: self.pe[0, positions] -> gather rows of pe by positions.
    return jnp.take(pe, positions, axis=0)

if __name__ == "__main__":
    import jax
    _d = setup_inputs()
    print(jax.jit(kernel)(*tuple(_d.values())))

</pallas_src>

<mosaic_0001>
#map = affine_map<(d0, d1) -> (0, 0)>
#map1 = affine_map<(d0, d1) -> (0, 0, 0)>
module attributes {stable_mosaic.version = 14 : i64} {
  func.func @k(%arg0: i32, %arg1: i32, %arg2: memref<8192x1024xf32, #tpu.memory_space<hbm>>, %arg3: memref<4x8192xi32, #tpu.memory_space<hbm>>, %arg4: memref<4x8192x1024xf32, #tpu.memory_space<hbm>>, %arg5: memref<1024xi32, #tpu.memory_space<vmem>>, %arg6: memref<8x8x1024xf32, #tpu.memory_space<vmem>>, %arg7: memref<!tpu.dma_semaphore, #tpu.memory_space<semaphore_mem>>, %arg8: memref<!tpu.dma_semaphore, #tpu.memory_space<semaphore_mem>>, %arg9: memref<!tpu.dma_semaphore, #tpu.memory_space<semaphore_mem>>, %arg10: memref<!tpu.dma_semaphore, #tpu.memory_space<semaphore_mem>>, %arg11: memref<!tpu.dma_semaphore, #tpu.memory_space<semaphore_mem>>, %arg12: memref<!tpu.dma_semaphore, #tpu.memory_space<semaphore_mem>>, %arg13: memref<!tpu.dma_semaphore, #tpu.memory_space<semaphore_mem>>, %arg14: memref<!tpu.dma_semaphore, #tpu.memory_space<semaphore_mem>>, %arg15: memref<!tpu.dma_semaphore, #tpu.memory_space<semaphore_mem>>, %arg16: memref<!tpu.dma_semaphore, #tpu.memory_space<semaphore_mem>>, %arg17: memref<!tpu.dma_semaphore, #tpu.memory_space<semaphore_mem>>, %arg18: memref<!tpu.dma_semaphore, #tpu.memory_space<semaphore_mem>>, %arg19: memref<!tpu.dma_semaphore, #tpu.memory_space<semaphore_mem>>, %arg20: memref<!tpu.dma_semaphore, #tpu.memory_space<semaphore_mem>>, %arg21: memref<!tpu.dma_semaphore, #tpu.memory_space<semaphore_mem>>, %arg22: memref<!tpu.dma_semaphore, #tpu.memory_space<semaphore_mem>>, %arg23: memref<!tpu.dma_semaphore, #tpu.memory_space<semaphore_mem>>) attributes {dimension_semantics = [#tpu.dimension_semantics<core_parallel>, #tpu.dimension_semantics<subcore_parallel>], iteration_bounds = array<i64: 2, 16>, scalar_prefetch = 0 : i64, scratch_operands = 19 : i64, tpu.core_type = #tpu.core_type<sc_vector_subcore>, window_params = [{transform_indices = #map}, {transform_indices = #map}, {transform_indices = #map1}]} {
    %mul3A = arith.constant 2 : i32
    %mul3A_0 = arith.muli %arg1, %mul3A : i32
    %add3A = arith.addi %mul3A_0, %arg0 : i32
    %jit3A = arith.constant 8 : i32
    %div3A = arith.divsi %add3A, %jit3A : i32
    %sign3A = arith.constant 0 : i32
    %sign3A_1 = arith.cmpi sgt, %add3A, %sign3A : i32
    %sign3A_2 = arith.extui %sign3A_1 : i1 to i32
    %sign3A_3 = arith.constant 0 : i32
    %sign3A_4 = arith.cmpi slt, %add3A, %sign3A_3 : i32
    %sign3A_5 = arith.extui %sign3A_4 : i1 to i32
    %sign3A_6 = arith.subi %sign3A_2, %sign3A_5 : i32
    %sign3A_7 = arith.constant 0 : i32
    %sign3A_8 = arith.cmpi sgt, %jit3A, %sign3A_7 : i32
    %sign3A_9 = arith.extui %sign3A_8 : i1 to i32
    %sign3A_10 = arith.constant 0 : i32
    %sign3A_11 = arith.cmpi slt, %jit3A, %sign3A_10 : i32
    %sign3A_12 = arith.extui %sign3A_11 : i1 to i32
    %sign3A_13 = arith.subi %sign3A_9, %sign3A_12 : i32
    %ne3A = arith.cmpi ne, %sign3A_6, %sign3A_13 : i32
    %rem3A = arith.remsi %add3A, %jit3A : i32
    %ne3A_14 = arith.constant 0 : i32
    %ne3A_15 = arith.cmpi ne, %rem3A, %ne3A_14 : i32
    %and3A = arith.andi %ne3A, %ne3A_15 : i1
    %sub3A = arith.constant 1 : i32
    %sub3A_16 = arith.subi %div3A, %sub3A : i32
    %select_n3A = arith.select %and3A, %sub3A_16, %div3A : i32
    %jit3A_17 = arith.constant 8 : i32
    %eq3A = arith.constant 0 : i32
    %eq3A_18 = arith.cmpi eq, %jit3A_17, %eq3A : i32
    %jit3A_19 = arith.constant 1 : i32
    %select_n3A_20 = arith.select %eq3A_18, %jit3A_19, %jit3A_17 : i32
    %rem3A_21 = arith.remsi %add3A, %select_n3A_20 : i32
    %ne3A_22 = arith.constant 0 : i32
    %ne3A_23 = arith.cmpi ne, %rem3A_21, %ne3A_22 : i32
    %lt3A = arith.constant 0 : i32
    %lt3A_24 = arith.cmpi slt, %rem3A_21, %lt3A : i32
    %lt3A_25 = arith.constant 0 : i32
    %lt3A_26 = arith.cmpi slt, %select_n3A_20, %lt3A_25 : i32
    %ne3A_27 = arith.xori %lt3A_24, %lt3A_26 : i1
    %and3A_28 = arith.andi %ne3A_27, %ne3A_23 : i1
    %add3A_29 = arith.addi %rem3A_21, %select_n3A_20 : i32
    %select_n3A_30 = arith.select %and3A_28, %add3A_29, %rem3A_21 : i32
    %mul3A_31 = arith.constant 1024 : i32
    %mul3A_32 = arith.muli %select_n3A_30, %mul3A_31 : i32
    "tpu.region"() ({
      %run_scoped3A = tpu.sem_alloc : memref<!tpu.dma_semaphore, #tpu.memory_space<semaphore_mem>>
      %dma_start3A_270 = arith.constant 0 : i32
      %dma_start3A_271 = tpu.memref_slice %arg5[%dma_start3A_270] : memref<1024xi32, #tpu.memory_space<vmem>> -> memref<128xi32, #tpu.memory_space<vmem>>
      %dma_start3A_272 = tpu.memref_slice %arg3[%select_n3A, %mul3A_32] : memref<4x8192xi32, #tpu.memory_space<hbm>> -> memref<1x128xi32, #tpu.memory_space<hbm>>
      %dma_start3A_273 = tpu.memref_squeeze %dma_start3A_272 : memref<1x128xi32, #tpu.memory_space<hbm>> -> memref<128xi32, #tpu.memory_space<hbm>>
      %dma_start3A_274 = arith.constant 0 : i32
      %dma_start3A_275 = tpu.memref_slice %arg5[%dma_start3A_274] : memref<1024xi32, #tpu.memory_space<vmem>> -> memref<128xi32, #tpu.memory_space<vmem>>
      %dma_start3A_276 = tpu.memref_slice %arg3[%select_n3A, %mul3A_32] : memref<4x8192xi32, #tpu.memory_space<hbm>> -> memref<1x128xi32, #tpu.memory_space<hbm>>
      %dma_start3A_277 = tpu.memref_squeeze %dma_start3A_276 : memref<1x128xi32, #tpu.memory_space<hbm>> -> memref<128xi32, #tpu.memory_space<hbm>>
      tpu.enqueue_dma source(%dma_start3A_277 : memref<128xi32, #tpu.memory_space<hbm>>) target(%dma_start3A_275 : memref<128xi32, #tpu.memory_space<vmem>>) target_semaphore(%run_scoped3A : memref<!tpu.dma_semaphore, #tpu.memory_space<semaphore_mem>>)
      %dma_wait3A_278 = arith.constant 0 : i32
      %dma_wait3A_279 = tpu.memref_slice %arg5[%dma_wait3A_278] : memref<1024xi32, #tpu.memory_space<vmem>> -> memref<128xi32, #tpu.memory_space<vmem>>
      %dma_wait3A_280 = tpu.memref_slice %arg3[%select_n3A, %mul3A_32] : memref<4x8192xi32, #tpu.memory_space<hbm>> -> memref<1x128xi32, #tpu.memory_space<hbm>>
      %dma_wait3A_281 = tpu.memref_squeeze %dma_wait3A_280 : memref<1x128xi32, #tpu.memory_space<hbm>> -> memref<128xi32, #tpu.memory_space<hbm>>
      %dma_wait3A_282 = arith.constant 0 : i32
      %dma_wait3A_283 = tpu.memref_slice %arg5[%dma_wait3A_282] : memref<1024xi32, #tpu.memory_space<vmem>> -> memref<128xi32, #tpu.memory_space<vmem>>
      %dma_wait3A_284 = tpu.memref_slice %arg3[%select_n3A, %mul3A_32] : memref<4x8192xi32, #tpu.memory_space<hbm>> -> memref<1x128xi32, #tpu.memory_space<hbm>>
      %dma_wait3A_285 = tpu.memref_squeeze %dma_wait3A_284 : memref<1x128xi32, #tpu.memory_space<hbm>> -> memref<128xi32, #tpu.memory_space<hbm>>
      tpu.wait_dma2 semaphore(%run_scoped3A : memref<!tpu.dma_semaphore, #tpu.memory_space<semaphore_mem>>) src(%dma_wait3A_285 : memref<128xi32, #tpu.memory_space<hbm>>) dst(%dma_wait3A_283 : memref<128xi32, #tpu.memory_space<vmem>>)
      tpu.yield
    }) : () -> ()
    %add3A_33 = arith.constant 128 : i32
    %add3A_34 = arith.addi %mul3A_32, %add3A_33 : i32
    %dma_start3A = arith.constant 128 : i32
    %dma_start3A_35 = tpu.memref_slice %arg5[%dma_start3A] : memref<1024xi32, #tpu.memory_space<vmem>> -> memref<896xi32, #tpu.memory_space<vmem>>
    %dma_start3A_36 = tpu.memref_slice %arg3[%select_n3A, %add3A_34] : memref<4x8192xi32, #tpu.memory_space<hbm>> -> memref<1x896xi32, #tpu.memory_space<hbm>>
    %dma_start3A_37 = tpu.memref_squeeze %dma_start3A_36 : memref<1x896xi32, #tpu.memory_space<hbm>> -> memref<896xi32, #tpu.memory_space<hbm>>
    %dma_start3A_38 = arith.constant 128 : i32
    %dma_start3A_39 = tpu.memref_slice %arg5[%dma_start3A_38] : memref<1024xi32, #tpu.memory_space<vmem>> -> memref<896xi32, #tpu.memory_space<vmem>>
    %dma_start3A_40 = tpu.memref_slice %arg3[%select_n3A, %add3A_34] : memref<4x8192xi32, #tpu.memory_space<hbm>> -> memref<1x896xi32, #tpu.memory_space<hbm>>
    %dma_start3A_41 = tpu.memref_squeeze %dma_start3A_40 : memref<1x896xi32, #tpu.memory_space<hbm>> -> memref<896xi32, #tpu.memory_space<hbm>>
    tpu.enqueue_dma source(%dma_start3A_41 : memref<896xi32, #tpu.memory_space<hbm>>) target(%dma_start3A_39 : memref<896xi32, #tpu.memory_space<vmem>>) target_semaphore(%arg23 : memref<!tpu.dma_semaphore, #tpu.memory_space<semaphore_mem>>)
    %dma_start3A_42 = arith.constant 0 : i32
    %dma_start3A_43 = arith.constant 0 : i32
    %dma_start3A_44 = arith.constant 0 : i32
    %dma_start3A_45 = tpu.memref_slice %arg6[%dma_start3A_42, %dma_start3A_43, %dma_start3A_44] : memref<8x8x1024xf32, #tpu.memory_space<vmem>> -> memref<1x8x1024xf32, #tpu.memory_space<vmem>>
    %dma_start3A_46 = tpu.memref_squeeze %dma_start3A_45 : memref<1x8x1024xf32, #tpu.memory_space<vmem>> -> memref<8x1024xf32, #tpu.memory_space<vmem>>
    %dma_start3A_47 = arith.constant 0 : i32
    %dma_start3A_48 = tpu.memref_slice %arg5[%dma_start3A_47] : memref<1024xi32, #tpu.memory_space<vmem>> -> memref<8xi32, #tpu.memory_space<vmem>>
    %dma_start3A_49 = arith.constant 0 : i32
    %dma_start3A_50 = arith.constant 0 : i32
    %dma_start3A_51 = tpu.memref_slice %arg2[%dma_start3A_49, %dma_start3A_50] : memref<8192x1024xf32, #tpu.memory_space<hbm>> -> memref<8192x1024xf32, #tpu.memory_space<hbm>>
    tpu.enqueue_indirect_dma source(%dma_start3A_51 : memref<8192x1024xf32, #tpu.memory_space<hbm>>) target(%dma_start3A_46 : memref<8x1024xf32, #tpu.memory_space<vmem>>) offsets(%dma_start3A_48 : memref<8xi32, #tpu.memory_space<vmem>>) semaphore(%arg7 : memref<!tpu.dma_semaphore, #tpu.memory_space<semaphore_mem>>)
    %dma_start3A_52 = arith.constant 1 : i32
    %dma_start3A_53 = arith.constant 0 : i32
    %dma_start3A_54 = arith.constant 0 : i32
    %dma_start3A_55 = tpu.memref_slice %arg6[%dma_start3A_52, %dma_start3A_53, %dma_start3A_54] : memref<8x8x1024xf32, #tpu.memory_space<vmem>> -> memref<1x8x1024xf32, #tpu.memory_space<vmem>>
    %dma_start3A_56 = tpu.memref_squeeze %dma_start3A_55 : memref<1x8x1024xf32, #tpu.memory_space<vmem>> -> memref<8x1024xf32, #tpu.memory_space<vmem>>
    %dma_start3A_57 = arith.constant 8 : i32
    %dma_start3A_58 = tpu.memref_slice %arg5[%dma_start3A_57] : memref<1024xi32, #tpu.memory_space<vmem>> -> memref<8xi32, #tpu.memory_space<vmem>>
    %dma_start3A_59 = arith.constant 0 : i32
    %dma_start3A_60 = arith.constant 0 : i32
    %dma_start3A_61 = tpu.memref_slice %arg2[%dma_start3A_59, %dma_start3A_60] : memref<8192x1024xf32, #tpu.memory_space<hbm>> -> memref<8192x1024xf32, #tpu.memory_space<hbm>>
    tpu.enqueue_indirect_dma source(%dma_start3A_61 : memref<8192x1024xf32, #tpu.memory_space<hbm>>) target(%dma_start3A_56 : memref<8x1024xf32, #tpu.memory_space<vmem>>) offsets(%dma_start3A_58 : memref<8xi32, #tpu.memory_space<vmem>>) semaphore(%arg8 : memref<!tpu.dma_semaphore, #tpu.memory_space<semaphore_mem>>)
    %dma_start3A_62 = arith.constant 2 : i32
    %dma_start3A_63 = arith.constant 0 : i32
    %dma_start3A_64 = arith.constant 0 : i32
    %dma_start3A_65 = tpu.memref_slice %arg6[%dma_start3A_62, %dma_start3A_63, %dma_start3A_64] : memref<8x8x1024xf32, #tpu.memory_space<vmem>> -> memref<1x8x1024xf32, #tpu.memory_space<vmem>>
    %dma_start3A_66 = tpu.memref_squeeze %dma_start3A_65 : memref<1x8x1024xf32, #tpu.memory_space<vmem>> -> memref<8x1024xf32, #tpu.memory_space<vmem>>
    %dma_start3A_67 = arith.constant 16 : i32
    %dma_start3A_68 = tpu.memref_slice %arg5[%dma_start3A_67] : memref<1024xi32, #tpu.memory_space<vmem>> -> memref<8xi32, #tpu.memory_space<vmem>>
    %dma_start3A_69 = arith.constant 0 : i32
    %dma_start3A_70 = arith.constant 0 : i32
    %dma_start3A_71 = tpu.memref_slice %arg2[%dma_start3A_69, %dma_start3A_70] : memref<8192x1024xf32, #tpu.memory_space<hbm>> -> memref<8192x1024xf32, #tpu.memory_space<hbm>>
    tpu.enqueue_indirect_dma source(%dma_start3A_71 : memref<8192x1024xf32, #tpu.memory_space<hbm>>) target(%dma_start3A_66 : memref<8x1024xf32, #tpu.memory_space<vmem>>) offsets(%dma_start3A_68 : memref<8xi32, #tpu.memory_space<vmem>>) semaphore(%arg9 : memref<!tpu.dma_semaphore, #tpu.memory_space<semaphore_mem>>)
    %dma_start3A_72 = arith.constant 3 : i32
    %dma_start3A_73 = arith.constant 0 : i32
    %dma_start3A_74 = arith.constant 0 : i32
    %dma_start3A_75 = tpu.memref_slice %arg6[%dma_start3A_72, %dma_start3A_73, %dma_start3A_74] : memref<8x8x1024xf32, #tpu.memory_space<vmem>> -> memref<1x8x1024xf32, #tpu.memory_space<vmem>>
    %dma_start3A_76 = tpu.memref_squeeze %dma_start3A_75 : memref<1x8x1024xf32, #tpu.memory_space<vmem>> -> memref<8x1024xf32, #tpu.memory_space<vmem>>
    %dma_start3A_77 = arith.constant 24 : i32
    %dma_start3A_78 = tpu.memref_slice %arg5[%dma_start3A_77] : memref<1024xi32, #tpu.memory_space<vmem>> -> memref<8xi32, #tpu.memory_space<vmem>>
    %dma_start3A_79 = arith.constant 0 : i32
    %dma_start3A_80 = arith.constant 0 : i32
    %dma_start3A_81 = tpu.memref_slice %arg2[%dma_start3A_79, %dma_start3A_80] : memref<8192x1024xf32, #tpu.memory_space<hbm>> -> memref<8192x1024xf32, #tpu.memory_space<hbm>>
    tpu.enqueue_indirect_dma source(%dma_start3A_81 : memref<8192x1024xf32, #tpu.memory_space<hbm>>) target(%dma_start3A_76 : memref<8x1024xf32, #tpu.memory_space<vmem>>) offsets(%dma_start3A_78 : memref<8xi32, #tpu.memory_space<vmem>>) semaphore(%arg10 : memref<!tpu.dma_semaphore, #tpu.memory_space<semaphore_mem>>)
    %dma_start3A_82 = arith.constant 4 : i32
    %dma_start3A_83 = arith.constant 0 : i32
    %dma_start3A_84 = arith.constant 0 : i32
    %dma_start3A_85 = tpu.memref_slice %arg6[%dma_start3A_82, %dma_start3A_83, %dma_start3A_84] : memref<8x8x1024xf32, #tpu.memory_space<vmem>> -> memref<1x8x1024xf32, #tpu.memory_space<vmem>>
    %dma_start3A_86 = tpu.memref_squeeze %dma_start3A_85 : memref<1x8x1024xf32, #tpu.memory_space<vmem>> -> memref<8x1024xf32, #tpu.memory_space<vmem>>
    %dma_start3A_87 = arith.constant 32 : i32
    %dma_start3A_88 = tpu.memref_slice %arg5[%dma_start3A_87] : memref<1024xi32, #tpu.memory_space<vmem>> -> memref<8xi32, #tpu.memory_space<vmem>>
    %dma_start3A_89 = arith.constant 0 : i32
    %dma_start3A_90 = arith.constant 0 : i32
    %dma_start3A_91 = tpu.memref_slice %arg2[%dma_start3A_89, %dma_start3A_90] : memref<8192x1024xf32, #tpu.memory_space<hbm>> -> memref<8192x1024xf32, #tpu.memory_space<hbm>>
    tpu.enqueue_indirect_dma source(%dma_start3A_91 : memref<8192x1024xf32, #tpu.memory_space<hbm>>) target(%dma_start3A_86 : memref<8x1024xf32, #tpu.memory_space<vmem>>) offsets(%dma_start3A_88 : memref<8xi32, #tpu.memory_space<vmem>>) semaphore(%arg11 : memref<!tpu.dma_semaphore, #tpu.memory_space<semaphore_mem>>)
    %dma_start3A_92 = arith.constant 5 : i32
    %dma_start3A_93 = arith.constant 0 : i32
    %dma_start3A_94 = arith.constant 0 : i32
    %dma_start3A_95 = tpu.memref_slice %arg6[%dma_start3A_92, %dma_start3A_93, %dma_start3A_94] : memref<8x8x1024xf32, #tpu.memory_space<vmem>> -> memref<1x8x1024xf32, #tpu.memory_space<vmem>>
    %dma_start3A_96 = tpu.memref_squeeze %dma_start3A_95 : memref<1x8x1024xf32, #tpu.memory_space<vmem>> -> memref<8x1024xf32, #tpu.memory_space<vmem>>
    %dma_start3A_97 = arith.constant 40 : i32
    %dma_start3A_98 = tpu.memref_slice %arg5[%dma_start3A_97] : memref<1024xi32, #tpu.memory_space<vmem>> -> memref<8xi32, #tpu.memory_space<vmem>>
    %dma_start3A_99 = arith.constant 0 : i32
    %dma_start3A_100 = arith.constant 0 : i32
    %dma_start3A_101 = tpu.memref_slice %arg2[%dma_start3A_99, %dma_start3A_100] : memref<8192x1024xf32, #tpu.memory_space<hbm>> -> memref<8192x1024xf32, #tpu.memory_space<hbm>>
    tpu.enqueue_indirect_dma source(%dma_start3A_101 : memref<8192x1024xf32, #tpu.memory_space<hbm>>) target(%dma_start3A_96 : memref<8x1024xf32, #tpu.memory_space<vmem>>) offsets(%dma_start3A_98 : memref<8xi32, #tpu.memory_space<vmem>>) semaphore(%arg12 : memref<!tpu.dma_semaphore, #tpu.memory_space<semaphore_mem>>)
    %dma_start3A_102 = arith.constant 6 : i32
    %dma_start3A_103 = arith.constant 0 : i32
    %dma_start3A_104 = arith.constant 0 : i32
    %dma_start3A_105 = tpu.memref_slice %arg6[%dma_start3A_102, %dma_start3A_103, %dma_start3A_104] : memref<8x8x1024xf32, #tpu.memory_space<vmem>> -> memref<1x8x1024xf32, #tpu.memory_space<vmem>>
    %dma_start3A_106 = tpu.memref_squeeze %dma_start3A_105 : memref<1x8x1024xf32, #tpu.memory_space<vmem>> -> memref<8x1024xf32, #tpu.memory_space<vmem>>
    %dma_start3A_107 = arith.constant 48 : i32
    %dma_start3A_108 = tpu.memref_slice %arg5[%dma_start3A_107] : memref<1024xi32, #tpu.memory_space<vmem>> -> memref<8xi32, #tpu.memory_space<vmem>>
    %dma_start3A_109 = arith.constant 0 : i32
    %dma_start3A_110 = arith.constant 0 : i32
    %dma_start3A_111 = tpu.memref_slice %arg2[%dma_start3A_109, %dma_start3A_110] : memref<8192x1024xf32, #tpu.memory_space<hbm>> -> memref<8192x1024xf32, #tpu.memory_space<hbm>>
    tpu.enqueue_indirect_dma source(%dma_start3A_111 : memref<8192x1024xf32, #tpu.memory_space<hbm>>) target(%dma_start3A_106 : memref<8x1024xf32, #tpu.memory_space<vmem>>) offsets(%dma_start3A_108 : memref<8xi32, #tpu.memory_space<vmem>>) semaphore(%arg13 : memref<!tpu.dma_semaphore, #tpu.memory_space<semaphore_mem>>)
    %dma_start3A_112 = arith.constant 7 : i32
    %dma_start3A_113 = arith.constant 0 : i32
    %dma_start3A_114 = arith.constant 0 : i32
    %dma_start3A_115 = tpu.memref_slice %arg6[%dma_start3A_112, %dma_start3A_113, %dma_start3A_114] : memref<8x8x1024xf32, #tpu.memory_space<vmem>> -> memref<1x8x1024xf32, #tpu.memory_space<vmem>>
    %dma_start3A_116 = tpu.memref_squeeze %dma_start3A_115 : memref<1x8x1024xf32, #tpu.memory_space<vmem>> -> memref<8x1024xf32, #tpu.memory_space<vmem>>
    %dma_start3A_117 = arith.constant 56 : i32
    %dma_start3A_118 = tpu.memref_slice %arg5[%dma_start3A_117] : memref<1024xi32, #tpu.memory_space<vmem>> -> memref<8xi32, #tpu.memory_space<vmem>>
    %dma_start3A_119 = arith.constant 0 : i32
    %dma_start3A_120 = arith.constant 0 : i32
    %dma_start3A_121 = tpu.memref_slice %arg2[%dma_start3A_119, %dma_start3A_120] : memref<8192x1024xf32, #tpu.memory_space<hbm>> -> memref<8192x1024xf32, #tpu.memory_space<hbm>>
    tpu.enqueue_indirect_dma source(%dma_start3A_121 : memref<8192x1024xf32, #tpu.memory_space<hbm>>) target(%dma_start3A_116 : memref<8x1024xf32, #tpu.memory_space<vmem>>) offsets(%dma_start3A_118 : memref<8xi32, #tpu.memory_space<vmem>>) semaphore(%arg14 : memref<!tpu.dma_semaphore, #tpu.memory_space<semaphore_mem>>)
    %dma_wait3A = arith.constant 128 : i32
    %dma_wait3A_122 = tpu.memref_slice %arg5[%dma_wait3A] : memref<1024xi32, #tpu.memory_space<vmem>> -> memref<896xi32, #tpu.memory_space<vmem>>
    %dma_wait3A_123 = tpu.memref_slice %arg3[%select_n3A, %add3A_34] : memref<4x8192xi32, #tpu.memory_space<hbm>> -> memref<1x896xi32, #tpu.memory_space<hbm>>
    %dma_wait3A_124 = tpu.memref_squeeze %dma_wait3A_123 : memref<1x896xi32, #tpu.memory_space<hbm>> -> memref<896xi32, #tpu.memory_space<hbm>>
    %dma_wait3A_125 = arith.constant 128 : i32
    %dma_wait3A_126 = tpu.memref_slice %arg5[%dma_wait3A_125] : memref<1024xi32, #tpu.memory_space<vmem>> -> memref<896xi32, #tpu.memory_space<vmem>>
    %dma_wait3A_127 = tpu.memref_slice %arg3[%select_n3A, %add3A_34] : memref<4x8192xi32, #tpu.memory_space<hbm>> -> memref<1x896xi32, #tpu.memory_space<hbm>>
    %dma_wait3A_128 = tpu.memref_squeeze %dma_wait3A_127 : memref<1x896xi32, #tpu.memory_space<hbm>> -> memref<896xi32, #tpu.memory_space<hbm>>
    tpu.wait_dma2 semaphore(%arg23 : memref<!tpu.dma_semaphore, #tpu.memory_space<semaphore_mem>>) src(%dma_wait3A_128 : memref<896xi32, #tpu.memory_space<hbm>>) dst(%dma_wait3A_126 : memref<896xi32, #tpu.memory_space<vmem>>)
    %scan3A = arith.constant 0 : i32
    %scan3A_129 = arith.constant 0 : i32
    %scan3A_130 = arith.constant 16 : i32
    %scan3A_131 = arith.addi %scan3A_129, %scan3A_130 : i32
    %scan3A_132 = arith.constant 1 : i32
    scf.for %scan3A_270 = %scan3A_129 to %scan3A_131 step %scan3A_132  : i32 {
      %mul3A_271 = arith.constant 8 : i32
      %mul3A_272 = arith.muli %mul3A_271, %scan3A_270 : i32
      %add3A_273 = arith.constant 0 : i32
      %add3A_274 = arith.addi %mul3A_272, %add3A_273 : i32
      %mul3A_275 = arith.constant 8 : i32
      %mul3A_276 = arith.muli %add3A_274, %mul3A_275 : i32
      %dma_wait3A_277 = arith.constant 0 : i32
      %dma_wait3A_278 = arith.constant 0 : i32
      %dma_wait3A_279 = arith.constant 0 : i32
      %dma_wait3A_280 = tpu.memref_slice %arg6[%dma_wait3A_277, %dma_wait3A_278, %dma_wait3A_279] : memref<8x8x1024xf32, #tpu.memory_space<vmem>> -> memref<1x8x1024xf32, #tpu.memory_space<vmem>>
      %dma_wait3A_281 = tpu.memref_squeeze %dma_wait3A_280 : memref<1x8x1024xf32, #tpu.memory_space<vmem>> -> memref<8x1024xf32, #tpu.memory_space<vmem>>
      %dma_wait3A_282 = tpu.memref_slice %arg5[%mul3A_276] : memref<1024xi32, #tpu.memory_space<vmem>> -> memref<8xi32, #tpu.memory_space<vmem>>
      %dma_wait3A_283 = arith.constant 0 : i32
      %dma_wait3A_284 = arith.constant 0 : i32
      %dma_wait3A_285 = tpu.memref_slice %arg2[%dma_wait3A_283, %dma_wait3A_284] : memref<8192x1024xf32, #tpu.memory_space<hbm>> -> memref<8192x1024xf32, #tpu.memory_space<hbm>>
      tpu.wait_indirect_dma semaphore(%arg7 : memref<!tpu.dma_semaphore, #tpu.memory_space<semaphore_mem>>) src(%dma_wait3A_285 : memref<8192x1024xf32, #tpu.memory_space<hbm>>) dst(%dma_wait3A_281 : memref<8x1024xf32, #tpu.memory_space<vmem>>)
      %mul3A_286 = arith.constant 8 : i32
      %mul3A_287 = arith.muli %add3A_274, %mul3A_286 : i32
      %add3A_288 = arith.addi %mul3A_32, %mul3A_287 : i32
      %dma_start3A_289 = arith.constant 0 : i32
      %dma_start3A_290 = arith.constant 0 : i32
      %dma_start3A_291 = arith.constant 0 : i32
      %dma_start3A_292 = tpu.memref_slice %arg6[%dma_start3A_289, %dma_start3A_290, %dma_start3A_291] : memref<8x8x1024xf32, #tpu.memory_space<vmem>> -> memref<1x8x1024xf32, #tpu.memory_space<vmem>>
      %dma_start3A_293 = tpu.memref_squeeze %dma_start3A_292 : memref<1x8x1024xf32, #tpu.memory_space<vmem>> -> memref<8x1024xf32, #tpu.memory_space<vmem>>
      %dma_start3A_294 = arith.constant 0 : i32
      %dma_start3A_295 = tpu.memref_slice %arg4[%select_n3A, %add3A_288, %dma_start3A_294] : memref<4x8192x1024xf32, #tpu.memory_space<hbm>> -> memref<1x8x1024xf32, #tpu.memory_space<hbm>>
      %dma_start3A_296 = tpu.memref_squeeze %dma_start3A_295 : memref<1x8x1024xf32, #tpu.memory_space<hbm>> -> memref<8x1024xf32, #tpu.memory_space<hbm>>
      %dma_start3A_297 = arith.constant 0 : i32
      %dma_start3A_298 = tpu.memref_slice %arg4[%select_n3A, %add3A_288, %dma_start3A_297] : memref<4x8192x1024xf32, #tpu.memory_space<hbm>> -> memref<1x8x1024xf32, #tpu.memory_space<hbm>>
      %dma_start3A_299 = tpu.memref_squeeze %dma_start3A_298 : memref<1x8x1024xf32, #tpu.memory_space<hbm>> -> memref<8x1024xf32, #tpu.memory_space<hbm>>
      %dma_start3A_300 = arith.constant 0 : i32
      %dma_start3A_301 = arith.constant 0 : i32
      %dma_start3A_302 = tpu.memref_slice %arg6[%dma_start3A_289, %dma_start3A_300, %dma_start3A_301] : memref<8x8x1024xf32, #tpu.memory_space<vmem>> -> memref<1x8x1024xf32, #tpu.memory_space<vmem>>
      %dma_start3A_303 = tpu.memref_squeeze %dma_start3A_302 : memref<1x8x1024xf32, #tpu.memory_space<vmem>> -> memref<8x1024xf32, #tpu.memory_space<vmem>>
      tpu.enqueue_dma source(%dma_start3A_303 : memref<8x1024xf32, #tpu.memory_space<vmem>>) target(%dma_start3A_299 : memref<8x1024xf32, #tpu.memory_space<hbm>>) target_semaphore(%arg15 : memref<!tpu.dma_semaphore, #tpu.memory_space<semaphore_mem>>)
      %sub3A_304 = arith.constant 4 : i32
      %sub3A_305 = arith.subi %add3A_274, %sub3A_304 : i32
      %ge3A = arith.constant 0 : i32
      %ge3A_306 = arith.cmpi sge, %sub3A_305, %ge3A : i32
      %add3A_307 = arith.constant 8 : i32
      %add3A_308 = arith.addi %sub3A_305, %add3A_307 : i32
      %lt3A_309 = arith.constant 128 : i32
      %lt3A_310 = arith.cmpi slt, %add3A_308, %lt3A_309 : i32
      %and3A_311 = arith.andi %ge3A_306, %lt3A_310 : i1
      %convert_element_type3A = arith.extui %and3A_311 : i1 to i32
      %cond3A = arith.constant 0 : i32
      %cond3A_312 = arith.cmpi ne, %convert_element_type3A, %cond3A : i32
      scf.if %cond3A_312 {
        %mul3A_614 = arith.constant 8 : i32
        %mul3A_615 = arith.muli %sub3A_305, %mul3A_614 : i32
        %add3A_616 = arith.addi %mul3A_32, %mul3A_615 : i32
        %dma_wait3A_617 = arith.constant 4 : i32
        %dma_wait3A_618 = arith.constant 0 : i32
        %dma_wait3A_619 = arith.constant 0 : i32
        %dma_wait3A_620 = tpu.memref_slice %arg6[%dma_wait3A_617, %dma_wait3A_618, %dma_wait3A_619] : memref<8x8x1024xf32, #tpu.memory_space<vmem>> -> memref<1x8x1024xf32, #tpu.memory_space<vmem>>
        %dma_wait3A_621 = tpu.memref_squeeze %dma_wait3A_620 : memref<1x8x1024xf32, #tpu.memory_space<vmem>> -> memref<8x1024xf32, #tpu.memory_space<vmem>>
        %dma_wait3A_622 = arith.constant 0 : i32
        %dma_wait3A_623 = tpu.memref_slice %arg4[%select_n3A, %add3A_616, %dma_wait3A_622] : memref<4x8192x1024xf32, #tpu.memory_space<hbm>> -> memref<1x8x1024xf32, #tpu.memory_space<hbm>>
        %dma_wait3A_624 = tpu.memref_squeeze %dma_wait3A_623 : memref<1x8x1024xf32, #tpu.memory_space<hbm>> -> memref<8x1024xf32, #tpu.memory_space<hbm>>
        %dma_wait3A_625 = arith.constant 0 : i32
        %dma_wait3A_626 = tpu.memref_slice %arg4[%select_n3A, %add3A_616, %dma_wait3A_625] : memref<4x8192x1024xf32, #tpu.memory_space<hbm>> -> memref<1x8x1024xf32, #tpu.memory_space<hbm>>
        %dma_wait3A_627 = tpu.memref_squeeze %dma_wait3A_626 : memref<1x8x1024xf32, #tpu.memory_space<hbm>> -> memref<8x1024xf32, #tpu.memory_space<hbm>>
        %dma_wait3A_628 = arith.constant 0 : i32
        %dma_wait3A_629 = arith.constant 0 : i32
        %dma_wait3A_630 = tpu.memref_slice %arg6[%dma_wait3A_617, %dma_wait3A_628, %dma_wait3A_629] : memref<8x8x1024xf32, #tpu.memory_space<vmem>> -> memref<1x8x1024xf32, #tpu.memory_space<vmem>>
        %dma_wait3A_631 = tpu.memref_squeeze %dma_wait3A_630 : memref<1x8x1024xf32, #tpu.memory_space<vmem>> -> memref<8x1024xf32, #tpu.memory_space<vmem>>
        tpu.wait_dma2 semaphore(%arg19 : memref<!tpu.dma_semaphore, #tpu.memory_space<semaphore_mem>>) src(%dma_wait3A_631 : memref<8x1024xf32, #tpu.memory_space<vmem>>) dst(%dma_wait3A_627 : memref<8x1024xf32, #tpu.memory_space<hbm>>)
        %add3A_632 = arith.constant 8 : i32
        %add3A_633 = arith.addi %sub3A_305, %add3A_632 : i32
        %mul3A_634 = arith.constant 8 : i32
        %mul3A_635 = arith.muli %add3A_633, %mul3A_634 : i32
        %dma_start3A_636 = arith.constant 4 : i32
        %dma_start3A_637 = arith.constant 0 : i32
        %dma_start3A_638 = arith.constant 0 : i32
        %dma_start3A_639 = tpu.memref_slice %arg6[%dma_start3A_636, %dma_start3A_637, %dma_start3A_638] : memref<8x8x1024xf32, #tpu.memory_space<vmem>> -> memref<1x8x1024xf32, #tpu.memory_space<vmem>>
        %dma_start3A_640 = tpu.memref_squeeze %dma_start3A_639 : memref<1x8x1024xf32, #tpu.memory_space<vmem>> -> memref<8x1024xf32, #tpu.memory_space<vmem>>
        %dma_start3A_641 = tpu.memref_slice %arg5[%mul3A_635] : memref<1024xi32, #tpu.memory_space<vmem>> -> memref<8xi32, #tpu.memory_space<vmem>>
        %dma_start3A_642 = arith.constant 0 : i32
        %dma_start3A_643 = arith.constant 0 : i32
        %dma_start3A_644 = tpu.memref_slice %arg2[%dma_start3A_642, %dma_start3A_643] : memref<8192x1024xf32, #tpu.memory_space<hbm>> -> memref<8192x1024xf32, #tpu.memory_space<hbm>>
        tpu.enqueue_indirect_dma source(%dma_start3A_644 : memref<8192x1024xf32, #tpu.memory_space<hbm>>) target(%dma_start3A_640 : memref<8x1024xf32, #tpu.memory_space<vmem>>) offsets(%dma_start3A_641 : memref<8xi32, #tpu.memory_space<vmem>>) semaphore(%arg11 : memref<!tpu.dma_semaphore, #tpu.memory_space<semaphore_mem>>)
      } else {
      }
      %add3A_313 = arith.constant 1 : i32
      %add3A_314 = arith.addi %mul3A_272, %add3A_313 : i32
      %mul3A_315 = arith.constant 8 : i32
      %mul3A_316 = arith.muli %add3A_314, %mul3A_315 : i32
      %dma_wait3A_317 = arith.constant 1 : i32
      %dma_wait3A_318 = arith.constant 0 : i32
      %dma_wait3A_319 = arith.constant 0 : i32
      %dma_wait3A_320 = tpu.memref_slice %arg6[%dma_wait3A_317, %dma_wait3A_318, %dma_wait3A_319] : memref<8x8x1024xf32, #tpu.memory_space<vmem>> -> memref<1x8x1024xf32, #tpu.memory_space<vmem>>
      %dma_wait3A_321 = tpu.memref_squeeze %dma_wait3A_320 : memref<1x8x1024xf32, #tpu.memory_space<vmem>> -> memref<8x1024xf32, #tpu.memory_space<vmem>>
      %dma_wait3A_322 = tpu.memref_slice %arg5[%mul3A_316] : memref<1024xi32, #tpu.memory_space<vmem>> -> memref<8xi32, #tpu.memory_space<vmem>>
      %dma_wait3A_323 = arith.constant 0 : i32
      %dma_wait3A_324 = arith.constant 0 : i32
      %dma_wait3A_325 = tpu.memref_slice %arg2[%dma_wait3A_323, %dma_wait3A_324] : memref<8192x1024xf32, #tpu.memory_space<hbm>> -> memref<8192x1024xf32, #tpu.memory_space<hbm>>
      tpu.wait_indirect_dma semaphore(%arg8 : memref<!tpu.dma_semaphore, #tpu.memory_space<semaphore_mem>>) src(%dma_wait3A_325 : memref<8192x1024xf32, #tpu.memory_space<hbm>>) dst(%dma_wait3A_321 : memref<8x1024xf32, #tpu.memory_space<vmem>>)
      %mul3A_326 = arith.constant 8 : i32
      %mul3A_327 = arith.muli %add3A_314, %mul3A_326 : i32
      %add3A_328 = arith.addi %mul3A_32, %mul3A_327 : i32
      %dma_start3A_329 = arith.constant 1 : i32
      %dma_start3A_330 = arith.constant 0 : i32
      %dma_start3A_331 = arith.constant 0 : i32
      %dma_start3A_332 = tpu.memref_slice %arg6[%dma_start3A_329, %dma_start3A_330, %dma_start3A_331] : memref<8x8x1024xf32, #tpu.memory_space<vmem>> -> memref<1x8x1024xf32, #tpu.memory_space<vmem>>
      %dma_start3A_333 = tpu.memref_squeeze %dma_start3A_332 : memref<1x8x1024xf32, #tpu.memory_space<vmem>> -> memref<8x1024xf32, #tpu.memory_space<vmem>>
      %dma_start3A_334 = arith.constant 0 : i32
      %dma_start3A_335 = tpu.memref_slice %arg4[%select_n3A, %add3A_328, %dma_start3A_334] : memref<4x8192x1024xf32, #tpu.memory_space<hbm>> -> memref<1x8x1024xf32, #tpu.memory_space<hbm>>
      %dma_start3A_336 = tpu.memref_squeeze %dma_start3A_335 : memref<1x8x1024xf32, #tpu.memory_space<hbm>> -> memref<8x1024xf32, #tpu.memory_space<hbm>>
      %dma_start3A_337 = arith.constant 0 : i32
      %dma_start3A_338 = tpu.memref_slice %arg4[%select_n3A, %add3A_328, %dma_start3A_337] : memref<4x8192x1024xf32, #tpu.memory_space<hbm>> -> memref<1x8x1024xf32, #tpu.memory_space<hbm>>
      %dma_start3A_339 = tpu.memref_squeeze %dma_start3A_338 : memref<1x8x1024xf32, #tpu.memory_space<hbm>> -> memref<8x1024xf32, #tpu.memory_space<hbm>>
      %dma_start3A_340 = arith.constant 0 : i32
      %dma_start3A_341 = arith.constant 0 : i32
      %dma_start3A_342 = tpu.memref_slice %arg6[%dma_start3A_329, %dma_start3A_340, %dma_start3A_341] : memref<8x8x1024xf32, #tpu.memory_space<vmem>> -> memref<1x8x1024xf32, #tpu.memory_space<vmem>>
      %dma_start3A_343 = tpu.memref_squeeze %dma_start3A_342 : memref<1x8x1024xf32, #tpu.memory_space<vmem>> -> memref<8x1024xf32, #tpu.memory_space<vmem>>
      tpu.enqueue_dma source(%dma_start3A_343 : memref<8x1024xf32, #tpu.memory_space<vmem>>) target(%dma_start3A_339 : memref<8x1024xf32, #tpu.memory_space<hbm>>) target_semaphore(%arg16 : memref<!tpu.dma_semaphore, #tpu.memory_space<semaphore_mem>>)
      %sub3A_344 = arith.constant 4 : i32
      %sub3A_345 = arith.subi %add3A_314, %sub3A_344 : i32
      %ge3A_346 = arith.constant 0 : i32
      %ge3A_347 = arith.cmpi sge, %sub3A_345, %ge3A_346 : i32
      %add3A_348 = arith.constant 8 : i32
      %add3A_349 = arith.addi %sub3A_345, %add3A_348 : i32
      %lt3A_350 = arith.constant 128 : i32
      %lt3A_351 = arith.cmpi slt, %add3A_349, %lt3A_350 : i32
      %and3A_352 = arith.andi %ge3A_347, %lt3A_351 : i1
      %convert_element_type3A_353 = arith.extui %and3A_352 : i1 to i32
      %cond3A_354 = arith.constant 0 : i32
      %cond3A_355 = arith.cmpi ne, %convert_element_type3A_353, %cond3A_354 : i32
      scf.if %cond3A_355 {
        %mul3A_614 = arith.constant 8 : i32
        %mul3A_615 = arith.muli %sub3A_345, %mul3A_614 : i32
        %add3A_616 = arith.addi %mul3A_32, %mul3A_615 : i32
        %dma_wait3A_617 = arith.constant 5 : i32
        %dma_wait3A_618 = arith.constant 0 : i32
        %dma_wait3A_619 = arith.constant 0 : i32
        %dma_wait3A_620 = tpu.memref_slice %arg6[%dma_wait3A_617, %dma_wait3A_618, %dma_wait3A_619] : memref<8x8x1024xf32, #tpu.memory_space<vmem>> -> memref<1x8x1024xf32, #tpu.memory_space<vmem>>
        %dma_wait3A_621 = tpu.memref_squeeze %dma_wait3A_620 : memref<1x8x1024xf32, #tpu.memory_space<vmem>> -> memref<8x1024xf32, #tpu.memory_space<vmem>>
        %dma_wait3A_622 = arith.constant 0 : i32
        %dma_wait3A_623 = tpu.memref_slice %arg4[%select_n3A, %add3A_616, %dma_wait3A_622] : memref<4x8192x1024xf32, #tpu.memory_space<hbm>> -> memref<1x8x1024xf32, #tpu.memory_space<hbm>>
        %dma_wait3A_624 = tpu.memref_squeeze %dma_wait3A_623 : memref<1x8x1024xf32, #tpu.memory_space<hbm>> -> memref<8x1024xf32, #tpu.memory_space<hbm>>
        %dma_wait3A_625 = arith.constant 0 : i32
        %dma_wait3A_626 = tpu.memref_slice %arg4[%select_n3A, %add3A_616, %dma_wait3A_625] : memref<4x8192x1024xf32, #tpu.memory_space<hbm>> -> memref<1x8x1024xf32, #tpu.memory_space<hbm>>
        %dma_wait3A_627 = tpu.memref_squeeze %dma_wait3A_626 : memref<1x8x1024xf32, #tpu.memory_space<hbm>> -> memref<8x1024xf32, #tpu.memory_space<hbm>>
        %dma_wait3A_628 = arith.constant 0 : i32
        %dma_wait3A_629 = arith.constant 0 : i32
        %dma_wait3A_630 = tpu.memref_slice %arg6[%dma_wait3A_617, %dma_wait3A_628, %dma_wait3A_629] : memref<8x8x1024xf32, #tpu.memory_space<vmem>> -> memref<1x8x1024xf32, #tpu.memory_space<vmem>>
        %dma_wait3A_631 = tpu.memref_squeeze %dma_wait3A_630 : memref<1x8x1024xf32, #tpu.memory_space<vmem>> -> memref<8x1024xf32, #tpu.memory_space<vmem>>
        tpu.wait_dma2 semaphore(%arg20 : memref<!tpu.dma_semaphore, #tpu.memory_space<semaphore_mem>>) src(%dma_wait3A_631 : memref<8x1024xf32, #tpu.memory_space<vmem>>) dst(%dma_wait3A_627 : memref<8x1024xf32, #tpu.memory_space<hbm>>)
        %add3A_632 = arith.constant 8 : i32
        %add3A_633 = arith.addi %sub3A_345, %add3A_632 : i32
        %mul3A_634 = arith.constant 8 : i32
        %mul3A_635 = arith.muli %add3A_633, %mul3A_634 : i32
        %dma_start3A_636 = arith.constant 5 : i32
        %dma_start3A_637 = arith.constant 0 : i32
        %dma_start3A_638 = arith.constant 0 : i32
        %dma_start3A_639 = tpu.memref_slice %arg6[%dma_start3A_636, %dma_start3A_637, %dma_start3A_638] : memref<8x8x1024xf32, #tpu.memory_space<vmem>> -> memref<1x8x1024xf32, #tpu.memory_space<vmem>>
        %dma_start3A_640 = tpu.memref_squeeze %dma_start3A_639 : memref<1x8x1024xf32, #tpu.memory_space<vmem>> -> memref<8x1024xf32, #tpu.memory_space<vmem>>
        %dma_start3A_641 = tpu.memref_slice %arg5[%mul3A_635] : memref<1024xi32, #tpu.memory_space<vmem>> -> memref<8xi32, #tpu.memory_space<vmem>>
        %dma_start3A_642 = arith.constant 0 : i32
        %dma_start3A_643 = arith.constant 0 : i32
        %dma_start3A_644 = tpu.memref_slice %arg2[%dma_start3A_642, %dma_start3A_643] : memref<8192x1024xf32, #tpu.memory_space<hbm>> -> memref<8192x1024xf32, #tpu.memory_space<hbm>>
        tpu.enqueue_indirect_dma source(%dma_start3A_644 : memref<8192x1024xf32, #tpu.memory_space<hbm>>) target(%dma_start3A_640 : memref<8x1024xf32, #tpu.memory_space<vmem>>) offsets(%dma_start3A_641 : memref<8xi32, #tpu.memory_space<vmem>>) semaphore(%arg12 : memref<!tpu.dma_semaphore, #tpu.memory_space<semaphore_mem>>)
      } else {
      }
      %add3A_356 = arith.constant 2 : i32
      %add3A_357 = arith.addi %mul3A_272, %add3A_356 : i32
      %mul3A_358 = arith.constant 8 : i32
      %mul3A_359 = arith.muli %add3A_357, %mul3A_358 : i32
      %dma_wait3A_360 = arith.constant 2 : i32
      %dma_wait3A_361 = arith.constant 0 : i32
      %dma_wait3A_362 = arith.constant 0 : i32
      %dma_wait3A_363 = tpu.memref_slice %arg6[%dma_wait3A_360, %dma_wait3A_361, %dma_wait3A_362] : memref<8x8x1024xf32, #tpu.memory_space<vmem>> -> memref<1x8x1024xf32, #tpu.memory_space<vmem>>
      %dma_wait3A_364 = tpu.memref_squeeze %dma_wait3A_363 : memref<1x8x1024xf32, #tpu.memory_space<vmem>> -> memref<8x1024xf32, #tpu.memory_space<vmem>>
      %dma_wait3A_365 = tpu.memref_slice %arg5[%mul3A_359] : memref<1024xi32, #tpu.memory_space<vmem>> -> memref<8xi32, #tpu.memory_space<vmem>>
      %dma_wait3A_366 = arith.constant 0 : i32
      %dma_wait3A_367 = arith.constant 0 : i32
      %dma_wait3A_368 = tpu.memref_slice %arg2[%dma_wait3A_366, %dma_wait3A_367] : memref<8192x1024xf32, #tpu.memory_space<hbm>> -> memref<8192x1024xf32, #tpu.memory_space<hbm>>
      tpu.wait_indirect_dma semaphore(%arg9 : memref<!tpu.dma_semaphore, #tpu.memory_space<semaphore_mem>>) src(%dma_wait3A_368 : memref<8192x1024xf32, #tpu.memory_space<hbm>>) dst(%dma_wait3A_364 : memref<8x1024xf32, #tpu.memory_space<vmem>>)
      %mul3A_369 = arith.constant 8 : i32
      %mul3A_370 = arith.muli %add3A_357, %mul3A_369 : i32
      %add3A_371 = arith.addi %mul3A_32, %mul3A_370 : i32
      %dma_start3A_372 = arith.constant 2 : i32
      %dma_start3A_373 = arith.constant 0 : i32
      %dma_start3A_374 = arith.constant 0 : i32
      %dma_start3A_375 = tpu.memref_slice %arg6[%dma_start3A_372, %dma_start3A_373, %dma_start3A_374] : memref<8x8x1024xf32, #tpu.memory_space<vmem>> -> memref<1x8x1024xf32, #tpu.memory_space<vmem>>
      %dma_start3A_376 = tpu.memref_squeeze %dma_start3A_375 : memref<1x8x1024xf32, #tpu.memory_space<vmem>> -> memref<8x1024xf32, #tpu.memory_space<vmem>>
      %dma_start3A_377 = arith.constant 0 : i32
      %dma_start3A_378 = tpu.memref_slice %arg4[%select_n3A, %add3A_371, %dma_start3A_377] : memref<4x8192x1024xf32, #tpu.memory_space<hbm>> -> memref<1x8x1024xf32, #tpu.memory_space<hbm>>
      %dma_start3A_379 = tpu.memref_squeeze %dma_start3A_378 : memref<1x8x1024xf32, #tpu.memory_space<hbm>> -> memref<8x1024xf32, #tpu.memory_space<hbm>>
      %dma_start3A_380 = arith.constant 0 : i32
      %dma_start3A_381 = tpu.memref_slice %arg4[%select_n3A, %add3A_371, %dma_start3A_380] : memref<4x8192x1024xf32, #tpu.memory_space<hbm>> -> memref<1x8x1024xf32, #tpu.memory_space<hbm>>
      %dma_start3A_382 = tpu.memref_squeeze %dma_start3A_381 : memref<1x8x1024xf32, #tpu.memory_space<hbm>> -> memref<8x1024xf32, #tpu.memory_space<hbm>>
      %dma_start3A_383 = arith.constant 0 : i32
      %dma_start3A_384 = arith.constant 0 : i32
      %dma_start3A_385 = tpu.memref_slice %arg6[%dma_start3A_372, %dma_start3A_383, %dma_start3A_384] : memref<8x8x1024xf32, #tpu.memory_space<vmem>> -> memref<1x8x1024xf32, #tpu.memory_space<vmem>>
      %dma_start3A_386 = tpu.memref_squeeze %dma_start3A_385 : memref<1x8x1024xf32, #tpu.memory_space<vmem>> -> memref<8x1024xf32, #tpu.memory_space<vmem>>
      tpu.enqueue_dma source(%dma_start3A_386 : memref<8x1024xf32, #tpu.memory_space<vmem>>) target(%dma_start3A_382 : memref<8x1024xf32, #tpu.memory_space<hbm>>) target_semaphore(%arg17 : memref<!tpu.dma_semaphore, #tpu.memory_space<semaphore_mem>>)
      %sub3A_387 = arith.constant 4 : i32
      %sub3A_388 = arith.subi %add3A_357, %sub3A_387 : i32
      %ge3A_389 = arith.constant 0 : i32
      %ge3A_390 = arith.cmpi sge, %sub3A_388, %ge3A_389 : i32
      %add3A_391 = arith.constant 8 : i32
      %add3A_392 = arith.addi %sub3A_388, %add3A_391 : i32
      %lt3A_393 = arith.constant 128 : i32
      %lt3A_394 = arith.cmpi slt, %add3A_392, %lt3A_393 : i32
      %and3A_395 = arith.andi %ge3A_390, %lt3A_394 : i1
      %convert_element_type3A_396 = arith.extui %and3A_395 : i1 to i32
      %cond3A_397 = arith.constant 0 : i32
      %cond3A_398 = arith.cmpi ne, %convert_element_type3A_396, %cond3A_397 : i32
      scf.if %cond3A_398 {
        %mul3A_614 = arith.constant 8 : i32
        %mul3A_615 = arith.muli %sub3A_388, %mul3A_614 : i32
        %add3A_616 = arith.addi %mul3A_32, %mul3A_615 : i32
        %dma_wait3A_617 = arith.constant 6 : i32
        %dma_wait3A_618 = arith.constant 0 : i32
        %dma_wait3A_619 = arith.constant 0 : i32
        %dma_wait3A_620 = tpu.memref_slice %arg6[%dma_wait3A_617, %dma_wait3A_618, %dma_wait3A_619] : memref<8x8x1024xf32, #tpu.memory_space<vmem>> -> memref<1x8x1024xf32, #tpu.memory_space<vmem>>
        %dma_wait3A_621 = tpu.memref_squeeze %dma_wait3A_620 : memref<1x8x1024xf32, #tpu.memory_space<vmem>> -> memref<8x1024xf32, #tpu.memory_space<vmem>>
        %dma_wait3A_622 = arith.constant 0 : i32
        %dma_wait3A_623 = tpu.memref_slice %arg4[%select_n3A, %add3A_616, %dma_wait3A_622] : memref<4x8192x1024xf32, #tpu.memory_space<hbm>> -> memref<1x8x1024xf32, #tpu.memory_space<hbm>>
        %dma_wait3A_624 = tpu.memref_squeeze %dma_wait3A_623 : memref<1x8x1024xf32, #tpu.memory_space<hbm>> -> memref<8x1024xf32, #tpu.memory_space<hbm>>
        %dma_wait3A_625 = arith.constant 0 : i32
        %dma_wait3A_626 = tpu.memref_slice %arg4[%select_n3A, %add3A_616, %dma_wait3A_625] : memref<4x8192x1024xf32, #tpu.memory_space<hbm>> -> memref<1x8x1024xf32, #tpu.memory_space<hbm>>
        %dma_wait3A_627 = tpu.memref_squeeze %dma_wait3A_626 : memref<1x8x1024xf32, #tpu.memory_space<hbm>> -> memref<8x1024xf32, #tpu.memory_space<hbm>>
        %dma_wait3A_628 = arith.constant 0 : i32
        %dma_wait3A_629 = arith.constant 0 : i32
        %dma_wait3A_630 = tpu.memref_slice %arg6[%dma_wait3A_617, %dma_wait3A_628, %dma_wait3A_629] : memref<8x8x1024xf32, #tpu.memory_space<vmem>> -> memref<1x8x1024xf32, #tpu.memory_space<vmem>>
        %dma_wait3A_631 = tpu.memref_squeeze %dma_wait3A_630 : memref<1x8x1024xf32, #tpu.memory_space<vmem>> -> memref<8x1024xf32, #tpu.memory_space<vmem>>
        tpu.wait_dma2 semaphore(%arg21 : memref<!tpu.dma_semaphore, #tpu.memory_space<semaphore_mem>>) src(%dma_wait3A_631 : memref<8x1024xf32, #tpu.memory_space<vmem>>) dst(%dma_wait3A_627 : memref<8x1024xf32, #tpu.memory_space<hbm>>)
        %add3A_632 = arith.constant 8 : i32
        %add3A_633 = arith.addi %sub3A_388, %add3A_632 : i32
        %mul3A_634 = arith.constant 8 : i32
        %mul3A_635 = arith.muli %add3A_633, %mul3A_634 : i32
        %dma_start3A_636 = arith.constant 6 : i32
        %dma_start3A_637 = arith.constant 0 : i32
        %dma_start3A_638 = arith.constant 0 : i32
        %dma_start3A_639 = tpu.memref_slice %arg6[%dma_start3A_636, %dma_start3A_637, %dma_start3A_638] : memref<8x8x1024xf32, #tpu.memory_space<vmem>> -> memref<1x8x1024xf32, #tpu.memory_space<vmem>>
        %dma_start3A_640 = tpu.memref_squeeze %dma_start3A_639 : memref<1x8x1024xf32, #tpu.memory_space<vmem>> -> memref<8x1024xf32, #tpu.memory_space<vmem>>
        %dma_start3A_641 = tpu.memref_slice %arg5[%mul3A_635] : memref<1024xi32, #tpu.memory_space<vmem>> -> memref<8xi32, #tpu.memory_space<vmem>>
        %dma_start3A_642 = arith.constant 0 : i32
        %dma_start3A_643 = arith.constant 0 : i32
        %dma_start3A_644 = tpu.memref_slice %arg2[%dma_start3A_642, %dma_start3A_643] : memref<8192x1024xf32, #tpu.memory_space<hbm>> -> memref<8192x1024xf32, #tpu.memory_space<hbm>>
        tpu.enqueue_indirect_dma source(%dma_start3A_644 : memref<8192x1024xf32, #tpu.memory_space<hbm>>) target(%dma_start3A_640 : memref<8x1024xf32, #tpu.memory_space<vmem>>) offsets(%dma_start3A_641 : memref<8xi32, #tpu.memory_space<vmem>>) semaphore(%arg13 : memref<!tpu.dma_semaphore, #tpu.memory_space<semaphore_mem>>)
      } else {
      }
      %add3A_399 = arith.constant 3 : i32
      %add3A_400 = arith.addi %mul3A_272, %add3A_399 : i32
      %mul3A_401 = arith.constant 8 : i32
      %mul3A_402 = arith.muli %add3A_400, %mul3A_401 : i32
      %dma_wait3A_403 = arith.constant 3 : i32
      %dma_wait3A_404 = arith.constant 0 : i32
      %dma_wait3A_405 = arith.constant 0 : i32
      %dma_wait3A_406 = tpu.memref_slice %arg6[%dma_wait3A_403, %dma_wait3A_404, %dma_wait3A_405] : memref<8x8x1024xf32, #tpu.memory_space<vmem>> -> memref<1x8x1024xf32, #tpu.memory_space<vmem>>
      %dma_wait3A_407 = tpu.memref_squeeze %dma_wait3A_406 : memref<1x8x1024xf32, #tpu.memory_space<vmem>> -> memref<8x1024xf32, #tpu.memory_space<vmem>>
      %dma_wait3A_408 = tpu.memref_slice %arg5[%mul3A_402] : memref<1024xi32, #tpu.memory_space<vmem>> -> memref<8xi32, #tpu.memory_space<vmem>>
      %dma_wait3A_409 = arith.constant 0 : i32
      %dma_wait3A_410 = arith.constant 0 : i32
      %dma_wait3A_411 = tpu.memref_slice %arg2[%dma_wait3A_409, %dma_wait3A_410] : memref<8192x1024xf32, #tpu.memory_space<hbm>> -> memref<8192x1024xf32, #tpu.memory_space<hbm>>
      tpu.wait_indirect_dma semaphore(%arg10 : memref<!tpu.dma_semaphore, #tpu.memory_space<semaphore_mem>>) src(%dma_wait3A_411 : memref<8192x1024xf32, #tpu.memory_space<hbm>>) dst(%dma_wait3A_407 : memref<8x1024xf32, #tpu.memory_space<vmem>>)
      %mul3A_412 = arith.constant 8 : i32
      %mul3A_413 = arith.muli %add3A_400, %mul3A_412 : i32
      %add3A_414 = arith.addi %mul3A_32, %mul3A_413 : i32
      %dma_start3A_415 = arith.constant 3 : i32
      %dma_start3A_416 = arith.constant 0 : i32
      %dma_start3A_417 = arith.constant 0 : i32
      %dma_start3A_418 = tpu.memref_slice %arg6[%dma_start3A_415, %dma_start3A_416, %dma_start3A_417] : memref<8x8x1024xf32, #tpu.memory_space<vmem>> -> memref<1x8x1024xf32, #tpu.memory_space<vmem>>
      %dma_start3A_419 = tpu.memref_squeeze %dma_start3A_418 : memref<1x8x1024xf32, #tpu.memory_space<vmem>> -> memref<8x1024xf32, #tpu.memory_space<vmem>>
      %dma_start3A_420 = arith.constant 0 : i32
      %dma_start3A_421 = tpu.memref_slice %arg4[%select_n3A, %add3A_414, %dma_start3A_420] : memref<4x8192x1024xf32, #tpu.memory_space<hbm>> -> memref<1x8x1024xf32, #tpu.memory_space<hbm>>
      %dma_start3A_422 = tpu.memref_squeeze %dma_start3A_421 : memref<1x8x1024xf32, #tpu.memory_space<hbm>> -> memref<8x1024xf32, #tpu.memory_space<hbm>>
      %dma_start3A_423 = arith.constant 0 : i32
      %dma_start3A_424 = tpu.memref_slice %arg4[%select_n3A, %add3A_414, %dma_start3A_423] : memref<4x8192x1024xf32, #tpu.memory_space<hbm>> -> memref<1x8x1024xf32, #tpu.memory_space<hbm>>
      %dma_start3A_425 = tpu.memref_squeeze %dma_start3A_424 : memref<1x8x1024xf32, #tpu.memory_space<hbm>> -> memref<8x1024xf32, #tpu.memory_space<hbm>>
      %dma_start3A_426 = arith.constant 0 : i32
      %dma_start3A_427 = arith.constant 0 : i32
      %dma_start3A_428 = tpu.memref_slice %arg6[%dma_start3A_415, %dma_start3A_426, %dma_start3A_427] : memref<8x8x1024xf32, #tpu.memory_space<vmem>> -> memref<1x8x1024xf32, #tpu.memory_space<vmem>>
      %dma_start3A_429 = tpu.memref_squeeze %dma_start3A_428 : memref<1x8x1024xf32, #tpu.memory_space<vmem>> -> memref<8x1024xf32, #tpu.memory_space<vmem>>
      tpu.enqueue_dma source(%dma_start3A_429 : memref<8x1024xf32, #tpu.memory_space<vmem>>) target(%dma_start3A_425 : memref<8x1024xf32, #tpu.memory_space<hbm>>) target_semaphore(%arg18 : memref<!tpu.dma_semaphore, #tpu.memory_space<semaphore_mem>>)
      %sub3A_430 = arith.constant 4 : i32
      %sub3A_431 = arith.subi %add3A_400, %sub3A_430 : i32
      %ge3A_432 = arith.constant 0 : i32
      %ge3A_433 = arith.cmpi sge, %sub3A_431, %ge3A_432 : i32
      %add3A_434 = arith.constant 8 : i32
      %add3A_435 = arith.addi %sub3A_431, %add3A_434 : i32
      %lt3A_436 = arith.constant 128 : i32
      %lt3A_437 = arith.cmpi slt, %add3A_435, %lt3A_436 : i32
      %and3A_438 = arith.andi %ge3A_433, %lt3A_437 : i1
      %convert_element_type3A_439 = arith.extui %and3A_438 : i1 to i32
      %cond3A_440 = arith.constant 0 : i32
      %cond3A_441 = arith.cmpi ne, %convert_element_type3A_439, %cond3A_440 : i32
      scf.if %cond3A_441 {
        %mul3A_614 = arith.constant 8 : i32
        %mul3A_615 = arith.muli %sub3A_431, %mul3A_614 : i32
        %add3A_616 = arith.addi %mul3A_32, %mul3A_615 : i32
        %dma_wait3A_617 = arith.constant 7 : i32
        %dma_wait3A_618 = arith.constant 0 : i32
        %dma_wait3A_619 = arith.constant 0 : i32
        %dma_wait3A_620 = tpu.memref_slice %arg6[%dma_wait3A_617, %dma_wait3A_618, %dma_wait3A_619] : memref<8x8x1024xf32, #tpu.memory_space<vmem>> -> memref<1x8x1024xf32, #tpu.memory_space<vmem>>
        %dma_wait3A_621 = tpu.memref_squeeze %dma_wait3A_620 : memref<1x8x1024xf32, #tpu.memory_space<vmem>> -> memref<8x1024xf32, #tpu.memory_space<vmem>>
        %dma_wait3A_622 = arith.constant 0 : i32
        %dma_wait3A_623 = tpu.memref_slice %arg4[%select_n3A, %add3A_616, %dma_wait3A_622] : memref<4x8192x1024xf32, #tpu.memory_space<hbm>> -> memref<1x8x1024xf32, #tpu.memory_space<hbm>>
        %dma_wait3A_624 = tpu.memref_squeeze %dma_wait3A_623 : memref<1x8x1024xf32, #tpu.memory_space<hbm>> -> memref<8x1024xf32, #tpu.memory_space<hbm>>
        %dma_wait3A_625 = arith.constant 0 : i32
        %dma_wait3A_626 = tpu.memref_slice %arg4[%select_n3A, %add3A_616, %dma_wait3A_625] : memref<4x8192x1024xf32, #tpu.memory_space<hbm>> -> memref<1x8x1024xf32, #tpu.memory_space<hbm>>
        %dma_wait3A_627 = tpu.memref_squeeze %dma_wait3A_626 : memref<1x8x1024xf32, #tpu.memory_space<hbm>> -> memref<8x1024xf32, #tpu.memory_space<hbm>>
        %dma_wait3A_628 = arith.constant 0 : i32
        %dma_wait3A_629 = arith.constant 0 : i32
        %dma_wait3A_630 = tpu.memref_slice %arg6[%dma_wait3A_617, %dma_wait3A_628, %dma_wait3A_629] : memref<8x8x1024xf32, #tpu.memory_space<vmem>> -> memref<1x8x1024xf32, #tpu.memory_space<vmem>>
        %dma_wait3A_631 = tpu.memref_squeeze %dma_wait3A_630 : memref<1x8x1024xf32, #tpu.memory_space<vmem>> -> memref<8x1024xf32, #tpu.memory_space<vmem>>
        tpu.wait_dma2 semaphore(%arg22 : memref<!tpu.dma_semaphore, #tpu.memory_space<semaphore_mem>>) src(%dma_wait3A_631 : memref<8x1024xf32, #tpu.memory_space<vmem>>) dst(%dma_wait3A_627 : memref<8x1024xf32, #tpu.memory_space<hbm>>)
        %add3A_632 = arith.constant 8 : i32
        %add3A_633 = arith.addi %sub3A_431, %add3A_632 : i32
        %mul3A_634 = arith.constant 8 : i32
        %mul3A_635 = arith.muli %add3A_633, %mul3A_634 : i32
        %dma_start3A_636 = arith.constant 7 : i32
        %dma_start3A_637 = arith.constant 0 : i32
        %dma_start3A_638 = arith.constant 0 : i32
        %dma_start3A_639 = tpu.memref_slice %arg6[%dma_start3A_636, %dma_start3A_637, %dma_start3A_638] : memref<8x8x1024xf32, #tpu.memory_space<vmem>> -> memref<1x8x1024xf32, #tpu.memory_space<vmem>>
        %dma_start3A_640 = tpu.memref_squeeze %dma_start3A_639 : memref<1x8x1024xf32, #tpu.memory_space<vmem>> -> memref<8x1024xf32, #tpu.memory_space<vmem>>
        %dma_start3A_641 = tpu.memref_slice %arg5[%mul3A_635] : memref<1024xi32, #tpu.memory_space<vmem>> -> memref<8xi32, #tpu.memory_space<vmem>>
        %dma_start3A_642 = arith.constant 0 : i32
        %dma_start3A_643 = arith.constant 0 : i32
        %dma_start3A_644 = tpu.memref_slice %arg2[%dma_start3A_642, %dma_start3A_643] : memref<8192x1024xf32, #tpu.memory_space<hbm>> -> memref<8192x1024xf32, #tpu.memory_space<hbm>>
        tpu.enqueue_indirect_dma source(%dma_start3A_644 : memref<8192x1024xf32, #tpu.memory_space<hbm>>) target(%dma_start3A_640 : memref<8x1024xf32, #tpu.memory_space<vmem>>) offsets(%dma_start3A_641 : memref<8xi32, #tpu.memory_space<vmem>>) semaphore(%arg14 : memref<!tpu.dma_semaphore, #tpu.memory_space<semaphore_mem>>)
      } else {
      }
      %add3A_442 = arith.constant 4 : i32
      %add3A_443 = arith.addi %mul3A_272, %add3A_442 : i32
      %mul3A_444 = arith.constant 8 : i32
      %mul3A_445 = arith.muli %add3A_443, %mul3A_444 : i32
      %dma_wait3A_446 = arith.constant 4 : i32
      %dma_wait3A_447 = arith.constant 0 : i32
      %dma_wait3A_448 = arith.constant 0 : i32
      %dma_wait3A_449 = tpu.memref_slice %arg6[%dma_wait3A_446, %dma_wait3A_447, %dma_wait3A_448] : memref<8x8x1024xf32, #tpu.memory_space<vmem>> -> memref<1x8x1024xf32, #tpu.memory_space<vmem>>
      %dma_wait3A_450 = tpu.memref_squeeze %dma_wait3A_449 : memref<1x8x1024xf32, #tpu.memory_space<vmem>> -> memref<8x1024xf32, #tpu.memory_space<vmem>>
      %dma_wait3A_451 = tpu.memref_slice %arg5[%mul3A_445] : memref<1024xi32, #tpu.memory_space<vmem>> -> memref<8xi32, #tpu.memory_space<vmem>>
      %dma_wait3A_452 = arith.constant 0 : i32
      %dma_wait3A_453 = arith.constant 0 : i32
      %dma_wait3A_454 = tpu.memref_slice %arg2[%dma_wait3A_452, %dma_wait3A_453] : memref<8192x1024xf32, #tpu.memory_space<hbm>> -> memref<8192x1024xf32, #tpu.memory_space<hbm>>
      tpu.wait_indirect_dma semaphore(%arg11 : memref<!tpu.dma_semaphore, #tpu.memory_space<semaphore_mem>>) src(%dma_wait3A_454 : memref<8192x1024xf32, #tpu.memory_space<hbm>>) dst(%dma_wait3A_450 : memref<8x1024xf32, #tpu.memory_space<vmem>>)
      %mul3A_455 = arith.constant 8 : i32
      %mul3A_456 = arith.muli %add3A_443, %mul3A_455 : i32
      %add3A_457 = arith.addi %mul3A_32, %mul3A_456 : i32
      %dma_start3A_458 = arith.constant 4 : i32
      %dma_start3A_459 = arith.constant 0 : i32
      %dma_start3A_460 = arith.constant 0 : i32
      %dma_start3A_461 = tpu.memref_slice %arg6[%dma_start3A_458, %dma_start3A_459, %dma_start3A_460] : memref<8x8x1024xf32, #tpu.memory_space<vmem>> -> memref<1x8x1024xf32, #tpu.memory_space<vmem>>
      %dma_start3A_462 = tpu.memref_squeeze %dma_start3A_461 : memref<1x8x1024xf32, #tpu.memory_space<vmem>> -> memref<8x1024xf32, #tpu.memory_space<vmem>>
      %dma_start3A_463 = arith.constant 0 : i32
      %dma_start3A_464 = tpu.memref_slice %arg4[%select_n3A, %add3A_457, %dma_start3A_463] : memref<4x8192x1024xf32, #tpu.memory_space<hbm>> -> memref<1x8x1024xf32, #tpu.memory_space<hbm>>
      %dma_start3A_465 = tpu.memref_squeeze %dma_start3A_464 : memref<1x8x1024xf32, #tpu.memory_space<hbm>> -> memref<8x1024xf32, #tpu.memory_space<hbm>>
      %dma_start3A_466 = arith.constant 0 : i32
      %dma_start3A_467 = tpu.memref_slice %arg4[%select_n3A, %add3A_457, %dma_start3A_466] : memref<4x8192x1024xf32, #tpu.memory_space<hbm>> -> memref<1x8x1024xf32, #tpu.memory_space<hbm>>
      %dma_start3A_468 = tpu.memref_squeeze %dma_start3A_467 : memref<1x8x1024xf32, #tpu.memory_space<hbm>> -> memref<8x1024xf32, #tpu.memory_space<hbm>>
      %dma_start3A_469 = arith.constant 0 : i32
      %dma_start3A_470 = arith.constant 0 : i32
      %dma_start3A_471 = tpu.memref_slice %arg6[%dma_start3A_458, %dma_start3A_469, %dma_start3A_470] : memref<8x8x1024xf32, #tpu.memory_space<vmem>> -> memref<1x8x1024xf32, #tpu.memory_space<vmem>>
      %dma_start3A_472 = tpu.memref_squeeze %dma_start3A_471 : memref<1x8x1024xf32, #tpu.memory_space<vmem>> -> memref<8x1024xf32, #tpu.memory_space<vmem>>
      tpu.enqueue_dma source(%dma_start3A_472 : memref<8x1024xf32, #tpu.memory_space<vmem>>) target(%dma_start3A_468 : memref<8x1024xf32, #tpu.memory_space<hbm>>) target_semaphore(%arg19 : memref<!tpu.dma_semaphore, #tpu.memory_space<semaphore_mem>>)
      %sub3A_473 = arith.constant 4 : i32
      %sub3A_474 = arith.subi %add3A_443, %sub3A_473 : i32
      %ge3A_475 = arith.constant 0 : i32
      %ge3A_476 = arith.cmpi sge, %sub3A_474, %ge3A_475 : i32
      %add3A_477 = arith.constant 8 : i32
      %add3A_478 = arith.addi %sub3A_474, %add3A_477 : i32
      %lt3A_479 = arith.constant 128 : i32
      %lt3A_480 = arith.cmpi slt, %add3A_478, %lt3A_479 : i32
      %and3A_481 = arith.andi %ge3A_476, %lt3A_480 : i1
      %convert_element_type3A_482 = arith.extui %and3A_481 : i1 to i32
      %cond3A_483 = arith.constant 0 : i32
      %cond3A_484 = arith.cmpi ne, %convert_element_type3A_482, %cond3A_483 : i32
      scf.if %cond3A_484 {
        %mul3A_614 = arith.constant 8 : i32
        %mul3A_615 = arith.muli %sub3A_474, %mul3A_614 : i32
        %add3A_616 = arith.addi %mul3A_32, %mul3A_615 : i32
        %dma_wait3A_617 = arith.constant 0 : i32
        %dma_wait3A_618 = arith.constant 0 : i32
        %dma_wait3A_619 = arith.constant 0 : i32
        %dma_wait3A_620 = tpu.memref_slice %arg6[%dma_wait3A_617, %dma_wait3A_618, %dma_wait3A_619] : memref<8x8x1024xf32, #tpu.memory_space<vmem>> -> memref<1x8x1024xf32, #tpu.memory_space<vmem>>
        %dma_wait3A_621 = tpu.memref_squeeze %dma_wait3A_620 : memref<1x8x1024xf32, #tpu.memory_space<vmem>> -> memref<8x1024xf32, #tpu.memory_space<vmem>>
        %dma_wait3A_622 = arith.constant 0 : i32
        %dma_wait3A_623 = tpu.memref_slice %arg4[%select_n3A, %add3A_616, %dma_wait3A_622] : memref<4x8192x1024xf32, #tpu.memory_space<hbm>> -> memref<1x8x1024xf32, #tpu.memory_space<hbm>>
        %dma_wait3A_624 = tpu.memref_squeeze %dma_wait3A_623 : memref<1x8x1024xf32, #tpu.memory_space<hbm>> -> memref<8x1024xf32, #tpu.memory_space<hbm>>
        %dma_wait3A_625 = arith.constant 0 : i32
        %dma_wait3A_626 = tpu.memref_slice %arg4[%select_n3A, %add3A_616, %dma_wait3A_625] : memref<4x8192x1024xf32, #tpu.memory_space<hbm>> -> memref<1x8x1024xf32, #tpu.memory_space<hbm>>
        %dma_wait3A_627 = tpu.memref_squeeze %dma_wait3A_626 : memref<1x8x1024xf32, #tpu.memory_space<hbm>> -> memref<8x1024xf32, #tpu.memory_space<hbm>>
        %dma_wait3A_628 = arith.constant 0 : i32
        %dma_wait3A_629 = arith.constant 0 : i32
        %dma_wait3A_630 = tpu.memref_slice %arg6[%dma_wait3A_617, %dma_wait3A_628, %dma_wait3A_629] : memref<8x8x1024xf32, #tpu.memory_space<vmem>> -> memref<1x8x1024xf32, #tpu.memory_space<vmem>>
        %dma_wait3A_631 = tpu.memref_squeeze %dma_wait3A_630 : memref<1x8x1024xf32, #tpu.memory_space<vmem>> -> memref<8x1024xf32, #tpu.memory_space<vmem>>
        tpu.wait_dma2 semaphore(%arg15 : memref<!tpu.dma_semaphore, #tpu.memory_space<semaphore_mem>>) src(%dma_wait3A_631 : memref<8x1024xf32, #tpu.memory_space<vmem>>) dst(%dma_wait3A_627 : memref<8x1024xf32, #tpu.memory_space<hbm>>)
        %add3A_632 = arith.constant 8 : i32
        %add3A_633 = arith.addi %sub3A_474, %add3A_632 : i32
        %mul3A_634 = arith.constant 8 : i32
        %mul3A_635 = arith.muli %add3A_633, %mul3A_634 : i32
        %dma_start3A_636 = arith.constant 0 : i32
        %dma_start3A_637 = arith.constant 0 : i32
        %dma_start3A_638 = arith.constant 0 : i32
        %dma_start3A_639 = tpu.memref_slice %arg6[%dma_start3A_636, %dma_start3A_637, %dma_start3A_638] : memref<8x8x1024xf32, #tpu.memory_space<vmem>> -> memref<1x8x1024xf32, #tpu.memory_space<vmem>>
        %dma_start3A_640 = tpu.memref_squeeze %dma_start3A_639 : memref<1x8x1024xf32, #tpu.memory_space<vmem>> -> memref<8x1024xf32, #tpu.memory_space<vmem>>
        %dma_start3A_641 = tpu.memref_slice %arg5[%mul3A_635] : memref<1024xi32, #tpu.memory_space<vmem>> -> memref<8xi32, #tpu.memory_space<vmem>>
        %dma_start3A_642 = arith.constant 0 : i32
        %dma_start3A_643 = arith.constant 0 : i32
        %dma_start3A_644 = tpu.memref_slice %arg2[%dma_start3A_642, %dma_start3A_643] : memref<8192x1024xf32, #tpu.memory_space<hbm>> -> memref<8192x1024xf32, #tpu.memory_space<hbm>>
        tpu.enqueue_indirect_dma source(%dma_start3A_644 : memref<8192x1024xf32, #tpu.memory_space<hbm>>) target(%dma_start3A_640 : memref<8x1024xf32, #tpu.memory_space<vmem>>) offsets(%dma_start3A_641 : memref<8xi32, #tpu.memory_space<vmem>>) semaphore(%arg7 : memref<!tpu.dma_semaphore, #tpu.memory_space<semaphore_mem>>)
      } else {
      }
      %add3A_485 = arith.constant 5 : i32
      %add3A_486 = arith.addi %mul3A_272, %add3A_485 : i32
      %mul3A_487 = arith.constant 8 : i32
      %mul3A_488 = arith.muli %add3A_486, %mul3A_487 : i32
      %dma_wait3A_489 = arith.constant 5 : i32
      %dma_wait3A_490 = arith.constant 0 : i32
      %dma_wait3A_491 = arith.constant 0 : i32
      %dma_wait3A_492 = tpu.memref_slice %arg6[%dma_wait3A_489, %dma_wait3A_490, %dma_wait3A_491] : memref<8x8x1024xf32, #tpu.memory_space<vmem>> -> memref<1x8x1024xf32, #tpu.memory_space<vmem>>
      %dma_wait3A_493 = tpu.memref_squeeze %dma_wait3A_492 : memref<1x8x1024xf32, #tpu.memory_space<vmem>> -> memref<8x1024xf32, #tpu.memory_space<vmem>>
      %dma_wait3A_494 = tpu.memref_slice %arg5[%mul3A_488] : memref<1024xi32, #tpu.memory_space<vmem>> -> memref<8xi32, #tpu.memory_space<vmem>>
      %dma_wait3A_495 = arith.constant 0 : i32
      %dma_wait3A_496 = arith.constant 0 : i32
      %dma_wait3A_497 = tpu.memref_slice %arg2[%dma_wait3A_495, %dma_wait3A_496] : memref<8192x1024xf32, #tpu.memory_space<hbm>> -> memref<8192x1024xf32, #tpu.memory_space<hbm>>
      tpu.wait_indirect_dma semaphore(%arg12 : memref<!tpu.dma_semaphore, #tpu.memory_space<semaphore_mem>>) src(%dma_wait3A_497 : memref<8192x1024xf32, #tpu.memory_space<hbm>>) dst(%dma_wait3A_493 : memref<8x1024xf32, #tpu.memory_space<vmem>>)
      %mul3A_498 = arith.constant 8 : i32
      %mul3A_499 = arith.muli %add3A_486, %mul3A_498 : i32
      %add3A_500 = arith.addi %mul3A_32, %mul3A_499 : i32
      %dma_start3A_501 = arith.constant 5 : i32
      %dma_start3A_502 = arith.constant 0 : i32
      %dma_start3A_503 = arith.constant 0 : i32
      %dma_start3A_504 = tpu.memref_slice %arg6[%dma_start3A_501, %dma_start3A_502, %dma_start3A_503] : memref<8x8x1024xf32, #tpu.memory_space<vmem>> -> memref<1x8x1024xf32, #tpu.memory_space<vmem>>
      %dma_start3A_505 = tpu.memref_squeeze %dma_start3A_504 : memref<1x8x1024xf32, #tpu.memory_space<vmem>> -> memref<8x1024xf32, #tpu.memory_space<vmem>>
      %dma_start3A_506 = arith.constant 0 : i32
      %dma_start3A_507 = tpu.memref_slice %arg4[%select_n3A, %add3A_500, %dma_start3A_506] : memref<4x8192x1024xf32, #tpu.memory_space<hbm>> -> memref<1x8x1024xf32, #tpu.memory_space<hbm>>
      %dma_start3A_508 = tpu.memref_squeeze %dma_start3A_507 : memref<1x8x1024xf32, #tpu.memory_space<hbm>> -> memref<8x1024xf32, #tpu.memory_space<hbm>>
      %dma_start3A_509 = arith.constant 0 : i32
      %dma_start3A_510 = tpu.memref_slice %arg4[%select_n3A, %add3A_500, %dma_start3A_509] : memref<4x8192x1024xf32, #tpu.memory_space<hbm>> -> memref<1x8x1024xf32, #tpu.memory_space<hbm>>
      %dma_start3A_511 = tpu.memref_squeeze %dma_start3A_510 : memref<1x8x1024xf32, #tpu.memory_space<hbm>> -> memref<8x1024xf32, #tpu.memory_space<hbm>>
      %dma_start3A_512 = arith.constant 0 : i32
      %dma_start3A_513 = arith.constant 0 : i32
      %dma_start3A_514 = tpu.memref_slice %arg6[%dma_start3A_501, %dma_start3A_512, %dma_start3A_513] : memref<8x8x1024xf32, #tpu.memory_space<vmem>> -> memref<1x8x1024xf32, #tpu.memory_space<vmem>>
      %dma_start3A_515 = tpu.memref_squeeze %dma_start3A_514 : memref<1x8x1024xf32, #tpu.memory_space<vmem>> -> memref<8x1024xf32, #tpu.memory_space<vmem>>
      tpu.enqueue_dma source(%dma_start3A_515 : memref<8x1024xf32, #tpu.memory_space<vmem>>) target(%dma_start3A_511 : memref<8x1024xf32, #tpu.memory_space<hbm>>) target_semaphore(%arg20 : memref<!tpu.dma_semaphore, #tpu.memory_space<semaphore_mem>>)
      %sub3A_516 = arith.constant 4 : i32
      %sub3A_517 = arith.subi %add3A_486, %sub3A_516 : i32
      %ge3A_518 = arith.constant 0 : i32
      %ge3A_519 = arith.cmpi sge, %sub3A_517, %ge3A_518 : i32
      %add3A_520 = arith.constant 8 : i32
      %add3A_521 = arith.addi %sub3A_517, %add3A_520 : i32
      %lt3A_522 = arith.constant 128 : i32
      %lt3A_523 = arith.cmpi slt, %add3A_521, %lt3A_522 : i32
      %and3A_524 = arith.andi %ge3A_519, %lt3A_523 : i1
      %convert_element_type3A_525 = arith.extui %and3A_524 : i1 to i32
      %cond3A_526 = arith.constant 0 : i32
      %cond3A_527 = arith.cmpi ne, %convert_element_type3A_525, %cond3A_526 : i32
      scf.if %cond3A_527 {
        %mul3A_614 = arith.constant 8 : i32
        %mul3A_615 = arith.muli %sub3A_517, %mul3A_614 : i32
        %add3A_616 = arith.addi %mul3A_32, %mul3A_615 : i32
        %dma_wait3A_617 = arith.constant 1 : i32
        %dma_wait3A_618 = arith.constant 0 : i32
        %dma_wait3A_619 = arith.constant 0 : i32
        %dma_wait3A_620 = tpu.memref_slice %arg6[%dma_wait3A_617, %dma_wait3A_618, %dma_wait3A_619] : memref<8x8x1024xf32, #tpu.memory_space<vmem>> -> memref<1x8x1024xf32, #tpu.memory_space<vmem>>
        %dma_wait3A_621 = tpu.memref_squeeze %dma_wait3A_620 : memref<1x8x1024xf32, #tpu.memory_space<vmem>> -> memref<8x1024xf32, #tpu.memory_space<vmem>>
        %dma_wait3A_622 = arith.constant 0 : i32
        %dma_wait3A_623 = tpu.memref_slice %arg4[%select_n3A, %add3A_616, %dma_wait3A_622] : memref<4x8192x1024xf32, #tpu.memory_space<hbm>> -> memref<1x8x1024xf32, #tpu.memory_space<hbm>>
        %dma_wait3A_624 = tpu.memref_squeeze %dma_wait3A_623 : memref<1x8x1024xf32, #tpu.memory_space<hbm>> -> memref<8x1024xf32, #tpu.memory_space<hbm>>
        %dma_wait3A_625 = arith.constant 0 : i32
        %dma_wait3A_626 = tpu.memref_slice %arg4[%select_n3A, %add3A_616, %dma_wait3A_625] : memref<4x8192x1024xf32, #tpu.memory_space<hbm>> -> memref<1x8x1024xf32, #tpu.memory_space<hbm>>
        %dma_wait3A_627 = tpu.memref_squeeze %dma_wait3A_626 : memref<1x8x1024xf32, #tpu.memory_space<hbm>> -> memref<8x1024xf32, #tpu.memory_space<hbm>>
        %dma_wait3A_628 = arith.constant 0 : i32
        %dma_wait3A_629 = arith.constant 0 : i32
        %dma_wait3A_630 = tpu.memref_slice %arg6[%dma_wait3A_617, %dma_wait3A_628, %dma_wait3A_629] : memref<8x8x1024xf32, #tpu.memory_space<vmem>> -> memref<1x8x1024xf32, #tpu.memory_space<vmem>>
        %dma_wait3A_631 = tpu.memref_squeeze %dma_wait3A_630 : memref<1x8x1024xf32, #tpu.memory_space<vmem>> -> memref<8x1024xf32, #tpu.memory_space<vmem>>
        tpu.wait_dma2 semaphore(%arg16 : memref<!tpu.dma_semaphore, #tpu.memory_space<semaphore_mem>>) src(%dma_wait3A_631 : memref<8x1024xf32, #tpu.memory_space<vmem>>) dst(%dma_wait3A_627 : memref<8x1024xf32, #tpu.memory_space<hbm>>)
        %add3A_632 = arith.constant 8 : i32
        %add3A_633 = arith.addi %sub3A_517, %add3A_632 : i32
        %mul3A_634 = arith.constant 8 : i32
        %mul3A_635 = arith.muli %add3A_633, %mul3A_634 : i32
        %dma_start3A_636 = arith.constant 1 : i32
        %dma_start3A_637 = arith.constant 0 : i32
        %dma_start3A_638 = arith.constant 0 : i32
        %dma_start3A_639 = tpu.memref_slice %arg6[%dma_start3A_636, %dma_start3A_637, %dma_start3A_638] : memref<8x8x1024xf32, #tpu.memory_space<vmem>> -> memref<1x8x1024xf32, #tpu.memory_space<vmem>>
        %dma_start3A_640 = tpu.memref_squeeze %dma_start3A_639 : memref<1x8x1024xf32, #tpu.memory_space<vmem>> -> memref<8x1024xf32, #tpu.memory_space<vmem>>
        %dma_start3A_641 = tpu.memref_slice %arg5[%mul3A_635] : memref<1024xi32, #tpu.memory_space<vmem>> -> memref<8xi32, #tpu.memory_space<vmem>>
        %dma_start3A_642 = arith.constant 0 : i32
        %dma_start3A_643 = arith.constant 0 : i32
        %dma_start3A_644 = tpu.memref_slice %arg2[%dma_start3A_642, %dma_start3A_643] : memref<8192x1024xf32, #tpu.memory_space<hbm>> -> memref<8192x1024xf32, #tpu.memory_space<hbm>>
        tpu.enqueue_indirect_dma source(%dma_start3A_644 : memref<8192x1024xf32, #tpu.memory_space<hbm>>) target(%dma_start3A_640 : memref<8x1024xf32, #tpu.memory_space<vmem>>) offsets(%dma_start3A_641 : memref<8xi32, #tpu.memory_space<vmem>>) semaphore(%arg8 : memref<!tpu.dma_semaphore, #tpu.memory_space<semaphore_mem>>)
      } else {
      }
      %add3A_528 = arith.constant 6 : i32
      %add3A_529 = arith.addi %mul3A_272, %add3A_528 : i32
      %mul3A_530 = arith.constant 8 : i32
      %mul3A_531 = arith.muli %add3A_529, %mul3A_530 : i32
      %dma_wait3A_532 = arith.constant 6 : i32
      %dma_wait3A_533 = arith.constant 0 : i32
      %dma_wait3A_534 = arith.constant 0 : i32
      %dma_wait3A_535 = tpu.memref_slice %arg6[%dma_wait3A_532, %dma_wait3A_533, %dma_wait3A_534] : memref<8x8x1024xf32, #tpu.memory_space<vmem>> -> memref<1x8x1024xf32, #tpu.memory_space<vmem>>
      %dma_wait3A_536 = tpu.memref_squeeze %dma_wait3A_535 : memref<1x8x1024xf32, #tpu.memory_space<vmem>> -> memref<8x1024xf32, #tpu.memory_space<vmem>>
      %dma_wait3A_537 = tpu.memref_slice %arg5[%mul3A_531] : memref<1024xi32, #tpu.memory_space<vmem>> -> memref<8xi32, #tpu.memory_space<vmem>>
      %dma_wait3A_538 = arith.constant 0 : i32
      %dma_wait3A_539 = arith.constant 0 : i32
      %dma_wait3A_540 = tpu.memref_slice %arg2[%dma_wait3A_538, %dma_wait3A_539] : memref<8192x1024xf32, #tpu.memory_space<hbm>> -> memref<8192x1024xf32, #tpu.memory_space<hbm>>
      tpu.wait_indirect_dma semaphore(%arg13 : memref<!tpu.dma_semaphore, #tpu.memory_space<semaphore_mem>>) src(%dma_wait3A_540 : memref<8192x1024xf32, #tpu.memory_space<hbm>>) dst(%dma_wait3A_536 : memref<8x1024xf32, #tpu.memory_space<vmem>>)
      %mul3A_541 = arith.constant 8 : i32
      %mul3A_542 = arith.muli %add3A_529, %mul3A_541 : i32
      %add3A_543 = arith.addi %mul3A_32, %mul3A_542 : i32
      %dma_start3A_544 = arith.constant 6 : i32
      %dma_start3A_545 = arith.constant 0 : i32
      %dma_start3A_546 = arith.constant 0 : i32
      %dma_start3A_547 = tpu.memref_slice %arg6[%dma_start3A_544, %dma_start3A_545, %dma_start3A_546] : memref<8x8x1024xf32, #tpu.memory_space<vmem>> -> memref<1x8x1024xf32, #tpu.memory_space<vmem>>
      %dma_start3A_548 = tpu.memref_squeeze %dma_start3A_547 : memref<1x8x1024xf32, #tpu.memory_space<vmem>> -> memref<8x1024xf32, #tpu.memory_space<vmem>>
      %dma_start3A_549 = arith.constant 0 : i32
      %dma_start3A_550 = tpu.memref_slice %arg4[%select_n3A, %add3A_543, %dma_start3A_549] : memref<4x8192x1024xf32, #tpu.memory_space<hbm>> -> memref<1x8x1024xf32, #tpu.memory_space<hbm>>
      %dma_start3A_551 = tpu.memref_squeeze %dma_start3A_550 : memref<1x8x1024xf32, #tpu.memory_space<hbm>> -> memref<8x1024xf32, #tpu.memory_space<hbm>>
      %dma_start3A_552 = arith.constant 0 : i32
      %dma_start3A_553 = tpu.memref_slice %arg4[%select_n3A, %add3A_543, %dma_start3A_552] : memref<4x8192x1024xf32, #tpu.memory_space<hbm>> -> memref<1x8x1024xf32, #tpu.memory_space<hbm>>
      %dma_start3A_554 = tpu.memref_squeeze %dma_start3A_553 : memref<1x8x1024xf32, #tpu.memory_space<hbm>> -> memref<8x1024xf32, #tpu.memory_space<hbm>>
      %dma_start3A_555 = arith.constant 0 : i32
      %dma_start3A_556 = arith.constant 0 : i32
      %dma_start3A_557 = tpu.memref_slice %arg6[%dma_start3A_544, %dma_start3A_555, %dma_start3A_556] : memref<8x8x1024xf32, #tpu.memory_space<vmem>> -> memref<1x8x1024xf32, #tpu.memory_space<vmem>>
      %dma_start3A_558 = tpu.memref_squeeze %dma_start3A_557 : memref<1x8x1024xf32, #tpu.memory_space<vmem>> -> memref<8x1024xf32, #tpu.memory_space<vmem>>
      tpu.enqueue_dma source(%dma_start3A_558 : memref<8x1024xf32, #tpu.memory_space<vmem>>) target(%dma_start3A_554 : memref<8x1024xf32, #tpu.memory_space<hbm>>) target_semaphore(%arg21 : memref<!tpu.dma_semaphore, #tpu.memory_space<semaphore_mem>>)
      %sub3A_559 = arith.constant 4 : i32
      %sub3A_560 = arith.subi %add3A_529, %sub3A_559 : i32
      %ge3A_561 = arith.constant 0 : i32
      %ge3A_562 = arith.cmpi sge, %sub3A_560, %ge3A_561 : i32
      %add3A_563 = arith.constant 8 : i32
      %add3A_564 = arith.addi %sub3A_560, %add3A_563 : i32
      %lt3A_565 = arith.constant 128 : i32
      %lt3A_566 = arith.cmpi slt, %add3A_564, %lt3A_565 : i32
      %and3A_567 = arith.andi %ge3A_562, %lt3A_566 : i1
      %convert_element_type3A_568 = arith.extui %and3A_567 : i1 to i32
      %cond3A_569 = arith.constant 0 : i32
      %cond3A_570 = arith.cmpi ne, %convert_element_type3A_568, %cond3A_569 : i32
      scf.if %cond3A_570 {
        %mul3A_614 = arith.constant 8 : i32
        %mul3A_615 = arith.muli %sub3A_560, %mul3A_614 : i32
        %add3A_616 = arith.addi %mul3A_32, %mul3A_615 : i32
        %dma_wait3A_617 = arith.constant 2 : i32
        %dma_wait3A_618 = arith.constant 0 : i32
        %dma_wait3A_619 = arith.constant 0 : i32
        %dma_wait3A_620 = tpu.memref_slice %arg6[%dma_wait3A_617, %dma_wait3A_618, %dma_wait3A_619] : memref<8x8x1024xf32, #tpu.memory_space<vmem>> -> memref<1x8x1024xf32, #tpu.memory_space<vmem>>
        %dma_wait3A_621 = tpu.memref_squeeze %dma_wait3A_620 : memref<1x8x1024xf32, #tpu.memory_space<vmem>> -> memref<8x1024xf32, #tpu.memory_space<vmem>>
        %dma_wait3A_622 = arith.constant 0 : i32
        %dma_wait3A_623 = tpu.memref_slice %arg4[%select_n3A, %add3A_616, %dma_wait3A_622] : memref<4x8192x1024xf32, #tpu.memory_space<hbm>> -> memref<1x8x1024xf32, #tpu.memory_space<hbm>>
        %dma_wait3A_624 = tpu.memref_squeeze %dma_wait3A_623 : memref<1x8x1024xf32, #tpu.memory_space<hbm>> -> memref<8x1024xf32, #tpu.memory_space<hbm>>
        %dma_wait3A_625 = arith.constant 0 : i32
        %dma_wait3A_626 = tpu.memref_slice %arg4[%select_n3A, %add3A_616, %dma_wait3A_625] : memref<4x8192x1024xf32, #tpu.memory_space<hbm>> -> memref<1x8x1024xf32, #tpu.memory_space<hbm>>
        %dma_wait3A_627 = tpu.memref_squeeze %dma_wait3A_626 : memref<1x8x1024xf32, #tpu.memory_space<hbm>> -> memref<8x1024xf32, #tpu.memory_space<hbm>>
        %dma_wait3A_628 = arith.constant 0 : i32
        %dma_wait3A_629 = arith.constant 0 : i32
        %dma_wait3A_630 = tpu.memref_slice %arg6[%dma_wait3A_617, %dma_wait3A_628, %dma_wait3A_629] : memref<8x8x1024xf32, #tpu.memory_space<vmem>> -> memref<1x8x1024xf32, #tpu.memory_space<vmem>>
        %dma_wait3A_631 = tpu.memref_squeeze %dma_wait3A_630 : memref<1x8x1024xf32, #tpu.memory_space<vmem>> -> memref<8x1024xf32, #tpu.memory_space<vmem>>
        tpu.wait_dma2 semaphore(%arg17 : memref<!tpu.dma_semaphore, #tpu.memory_space<semaphore_mem>>) src(%dma_wait3A_631 : memref<8x1024xf32, #tpu.memory_space<vmem>>) dst(%dma_wait3A_627 : memref<8x1024xf32, #tpu.memory_space<hbm>>)
        %add3A_632 = arith.constant 8 : i32
        %add3A_633 = arith.addi %sub3A_560, %add3A_632 : i32
        %mul3A_634 = arith.constant 8 : i32
        %mul3A_635 = arith.muli %add3A_633, %mul3A_634 : i32
        %dma_start3A_636 = arith.constant 2 : i32
        %dma_start3A_637 = arith.constant 0 : i32
        %dma_start3A_638 = arith.constant 0 : i32
        %dma_start3A_639 = tpu.memref_slice %arg6[%dma_start3A_636, %dma_start3A_637, %dma_start3A_638] : memref<8x8x1024xf32, #tpu.memory_space<vmem>> -> memref<1x8x1024xf32, #tpu.memory_space<vmem>>
        %dma_start3A_640 = tpu.memref_squeeze %dma_start3A_639 : memref<1x8x1024xf32, #tpu.memory_space<vmem>> -> memref<8x1024xf32, #tpu.memory_space<vmem>>
        %dma_start3A_641 = tpu.memref_slice %arg5[%mul3A_635] : memref<1024xi32, #tpu.memory_space<vmem>> -> memref<8xi32, #tpu.memory_space<vmem>>
        %dma_start3A_642 = arith.constant 0 : i32
        %dma_start3A_643 = arith.constant 0 : i32
        %dma_start3A_644 = tpu.memref_slice %arg2[%dma_start3A_642, %dma_start3A_643] : memref<8192x1024xf32, #tpu.memory_space<hbm>> -> memref<8192x1024xf32, #tpu.memory_space<hbm>>
        tpu.enqueue_indirect_dma source(%dma_start3A_644 : memref<8192x1024xf32, #tpu.memory_space<hbm>>) target(%dma_start3A_640 : memref<8x1024xf32, #tpu.memory_space<vmem>>) offsets(%dma_start3A_641 : memref<8xi32, #tpu.memory_space<vmem>>) semaphore(%arg9 : memref<!tpu.dma_semaphore, #tpu.memory_space<semaphore_mem>>)
      } else {
      }
      %add3A_571 = arith.constant 7 : i32
      %add3A_572 = arith.addi %mul3A_272, %add3A_571 : i32
      %mul3A_573 = arith.constant 8 : i32
      %mul3A_574 = arith.muli %add3A_572, %mul3A_573 : i32
      %dma_wait3A_575 = arith.constant 7 : i32
      %dma_wait3A_576 = arith.constant 0 : i32
      %dma_wait3A_577 = arith.constant 0 : i32
      %dma_wait3A_578 = tpu.memref_slice %arg6[%dma_wait3A_575, %dma_wait3A_576, %dma_wait3A_577] : memref<8x8x1024xf32, #tpu.memory_space<vmem>> -> memref<1x8x1024xf32, #tpu.memory_space<vmem>>
      %dma_wait3A_579 = tpu.memref_squeeze %dma_wait3A_578 : memref<1x8x1024xf32, #tpu.memory_space<vmem>> -> memref<8x1024xf32, #tpu.memory_space<vmem>>
      %dma_wait3A_580 = tpu.memref_slice %arg5[%mul3A_574] : memref<1024xi32, #tpu.memory_space<vmem>> -> memref<8xi32, #tpu.memory_space<vmem>>
      %dma_wait3A_581 = arith.constant 0 : i32
      %dma_wait3A_582 = arith.constant 0 : i32
      %dma_wait3A_583 = tpu.memref_slice %arg2[%dma_wait3A_581, %dma_wait3A_582] : memref<8192x1024xf32, #tpu.memory_space<hbm>> -> memref<8192x1024xf32, #tpu.memory_space<hbm>>
      tpu.wait_indirect_dma semaphore(%arg14 : memref<!tpu.dma_semaphore, #tpu.memory_space<semaphore_mem>>) src(%dma_wait3A_583 : memref<8192x1024xf32, #tpu.memory_space<hbm>>) dst(%dma_wait3A_579 : memref<8x1024xf32, #tpu.memory_space<vmem>>)
      %mul3A_584 = arith.constant 8 : i32
      %mul3A_585 = arith.muli %add3A_572, %mul3A_584 : i32
      %add3A_586 = arith.addi %mul3A_32, %mul3A_585 : i32
      %dma_start3A_587 = arith.constant 7 : i32
      %dma_start3A_588 = arith.constant 0 : i32
      %dma_start3A_589 = arith.constant 0 : i32
      %dma_start3A_590 = tpu.memref_slice %arg6[%dma_start3A_587, %dma_start3A_588, %dma_start3A_589] : memref<8x8x1024xf32, #tpu.memory_space<vmem>> -> memref<1x8x1024xf32, #tpu.memory_space<vmem>>
      %dma_start3A_591 = tpu.memref_squeeze %dma_start3A_590 : memref<1x8x1024xf32, #tpu.memory_space<vmem>> -> memref<8x1024xf32, #tpu.memory_space<vmem>>
      %dma_start3A_592 = arith.constant 0 : i32
      %dma_start3A_593 = tpu.memref_slice %arg4[%select_n3A, %add3A_586, %dma_start3A_592] : memref<4x8192x1024xf32, #tpu.memory_space<hbm>> -> memref<1x8x1024xf32, #tpu.memory_space<hbm>>
      %dma_start3A_594 = tpu.memref_squeeze %dma_start3A_593 : memref<1x8x1024xf32, #tpu.memory_space<hbm>> -> memref<8x1024xf32, #tpu.memory_space<hbm>>
      %dma_start3A_595 = arith.constant 0 : i32
      %dma_start3A_596 = tpu.memref_slice %arg4[%select_n3A, %add3A_586, %dma_start3A_595] : memref<4x8192x1024xf32, #tpu.memory_space<hbm>> -> memref<1x8x1024xf32, #tpu.memory_space<hbm>>
      %dma_start3A_597 = tpu.memref_squeeze %dma_start3A_596 : memref<1x8x1024xf32, #tpu.memory_space<hbm>> -> memref<8x1024xf32, #tpu.memory_space<hbm>>
      %dma_start3A_598 = arith.constant 0 : i32
      %dma_start3A_599 = arith.constant 0 : i32
      %dma_start3A_600 = tpu.memref_slice %arg6[%dma_start3A_587, %dma_start3A_598, %dma_start3A_599] : memref<8x8x1024xf32, #tpu.memory_space<vmem>> -> memref<1x8x1024xf32, #tpu.memory_space<vmem>>
      %dma_start3A_601 = tpu.memref_squeeze %dma_start3A_600 : memref<1x8x1024xf32, #tpu.memory_space<vmem>> -> memref<8x1024xf32, #tpu.memory_space<vmem>>
      tpu.enqueue_dma source(%dma_start3A_601 : memref<8x1024xf32, #tpu.memory_space<vmem>>) target(%dma_start3A_597 : memref<8x1024xf32, #tpu.memory_space<hbm>>) target_semaphore(%arg22 : memref<!tpu.dma_semaphore, #tpu.memory_space<semaphore_mem>>)
      %sub3A_602 = arith.constant 4 : i32
      %sub3A_603 = arith.subi %add3A_572, %sub3A_602 : i32
      %ge3A_604 = arith.constant 0 : i32
      %ge3A_605 = arith.cmpi sge, %sub3A_603, %ge3A_604 : i32
      %add3A_606 = arith.constant 8 : i32
      %add3A_607 = arith.addi %sub3A_603, %add3A_606 : i32
      %lt3A_608 = arith.constant 128 : i32
      %lt3A_609 = arith.cmpi slt, %add3A_607, %lt3A_608 : i32
      %and3A_610 = arith.andi %ge3A_605, %lt3A_609 : i1
      %convert_element_type3A_611 = arith.extui %and3A_610 : i1 to i32
      %cond3A_612 = arith.constant 0 : i32
      %cond3A_613 = arith.cmpi ne, %convert_element_type3A_611, %cond3A_612 : i32
      scf.if %cond3A_613 {
        %mul3A_614 = arith.constant 8 : i32
        %mul3A_615 = arith.muli %sub3A_603, %mul3A_614 : i32
        %add3A_616 = arith.addi %mul3A_32, %mul3A_615 : i32
        %dma_wait3A_617 = arith.constant 3 : i32
        %dma_wait3A_618 = arith.constant 0 : i32
        %dma_wait3A_619 = arith.constant 0 : i32
        %dma_wait3A_620 = tpu.memref_slice %arg6[%dma_wait3A_617, %dma_wait3A_618, %dma_wait3A_619] : memref<8x8x1024xf32, #tpu.memory_space<vmem>> -> memref<1x8x1024xf32, #tpu.memory_space<vmem>>
        %dma_wait3A_621 = tpu.memref_squeeze %dma_wait3A_620 : memref<1x8x1024xf32, #tpu.memory_space<vmem>> -> memref<8x1024xf32, #tpu.memory_space<vmem>>
        %dma_wait3A_622 = arith.constant 0 : i32
        %dma_wait3A_623 = tpu.memref_slice %arg4[%select_n3A, %add3A_616, %dma_wait3A_622] : memref<4x8192x1024xf32, #tpu.memory_space<hbm>> -> memref<1x8x1024xf32, #tpu.memory_space<hbm>>
        %dma_wait3A_624 = tpu.memref_squeeze %dma_wait3A_623 : memref<1x8x1024xf32, #tpu.memory_space<hbm>> -> memref<8x1024xf32, #tpu.memory_space<hbm>>
        %dma_wait3A_625 = arith.constant 0 : i32
        %dma_wait3A_626 = tpu.memref_slice %arg4[%select_n3A, %add3A_616, %dma_wait3A_625] : memref<4x8192x1024xf32, #tpu.memory_space<hbm>> -> memref<1x8x1024xf32, #tpu.memory_space<hbm>>
        %dma_wait3A_627 = tpu.memref_squeeze %dma_wait3A_626 : memref<1x8x1024xf32, #tpu.memory_space<hbm>> -> memref<8x1024xf32, #tpu.memory_space<hbm>>
        %dma_wait3A_628 = arith.constant 0 : i32
        %dma_wait3A_629 = arith.constant 0 : i32
        %dma_wait3A_630 = tpu.memref_slice %arg6[%dma_wait3A_617, %dma_wait3A_628, %dma_wait3A_629] : memref<8x8x1024xf32, #tpu.memory_space<vmem>> -> memref<1x8x1024xf32, #tpu.memory_space<vmem>>
        %dma_wait3A_631 = tpu.memref_squeeze %dma_wait3A_630 : memref<1x8x1024xf32, #tpu.memory_space<vmem>> -> memref<8x1024xf32, #tpu.memory_space<vmem>>
        tpu.wait_dma2 semaphore(%arg18 : memref<!tpu.dma_semaphore, #tpu.memory_space<semaphore_mem>>) src(%dma_wait3A_631 : memref<8x1024xf32, #tpu.memory_space<vmem>>) dst(%dma_wait3A_627 : memref<8x1024xf32, #tpu.memory_space<hbm>>)
        %add3A_632 = arith.constant 8 : i32
        %add3A_633 = arith.addi %sub3A_603, %add3A_632 : i32
        %mul3A_634 = arith.constant 8 : i32
        %mul3A_635 = arith.muli %add3A_633, %mul3A_634 : i32
        %dma_start3A_636 = arith.constant 3 : i32
        %dma_start3A_637 = arith.constant 0 : i32
        %dma_start3A_638 = arith.constant 0 : i32
        %dma_start3A_639 = tpu.memref_slice %arg6[%dma_start3A_636, %dma_start3A_637, %dma_start3A_638] : memref<8x8x1024xf32, #tpu.memory_space<vmem>> -> memref<1x8x1024xf32, #tpu.memory_space<vmem>>
        %dma_start3A_640 = tpu.memref_squeeze %dma_start3A_639 : memref<1x8x1024xf32, #tpu.memory_space<vmem>> -> memref<8x1024xf32, #tpu.memory_space<vmem>>
        %dma_start3A_641 = tpu.memref_slice %arg5[%mul3A_635] : memref<1024xi32, #tpu.memory_space<vmem>> -> memref<8xi32, #tpu.memory_space<vmem>>
        %dma_start3A_642 = arith.constant 0 : i32
        %dma_start3A_643 = arith.constant 0 : i32
        %dma_start3A_644 = tpu.memref_slice %arg2[%dma_start3A_642, %dma_start3A_643] : memref<8192x1024xf32, #tpu.memory_space<hbm>> -> memref<8192x1024xf32, #tpu.memory_space<hbm>>
        tpu.enqueue_indirect_dma source(%dma_start3A_644 : memref<8192x1024xf32, #tpu.memory_space<hbm>>) target(%dma_start3A_640 : memref<8x1024xf32, #tpu.memory_space<vmem>>) offsets(%dma_start3A_641 : memref<8xi32, #tpu.memory_space<vmem>>) semaphore(%arg10 : memref<!tpu.dma_semaphore, #tpu.memory_space<semaphore_mem>>)
      } else {
      }
    }
    %scan3A_133 = arith.constant 16 : i32
    %add3A_134 = arith.constant 960 : i32
    %add3A_135 = arith.addi %mul3A_32, %add3A_134 : i32
    %dma_wait3A_136 = arith.constant 0 : i32
    %dma_wait3A_137 = arith.constant 0 : i32
    %dma_wait3A_138 = arith.constant 0 : i32
    %dma_wait3A_139 = tpu.memref_slice %arg6[%dma_wait3A_136, %dma_wait3A_137, %dma_wait3A_138] : memref<8x8x1024xf32, #tpu.memory_space<vmem>> -> memref<1x8x1024xf32, #tpu.memory_space<vmem>>
    %dma_wait3A_140 = tpu.memref_squeeze %dma_wait3A_139 : memref<1x8x1024xf32, #tpu.memory_space<vmem>> -> memref<8x1024xf32, #tpu.memory_space<vmem>>
    %dma_wait3A_141 = arith.constant 0 : i32
    %dma_wait3A_142 = tpu.memref_slice %arg4[%select_n3A, %add3A_135, %dma_wait3A_141] : memref<4x8192x1024xf32, #tpu.memory_space<hbm>> -> memref<1x8x1024xf32, #tpu.memory_space<hbm>>
    %dma_wait3A_143 = tpu.memref_squeeze %dma_wait3A_142 : memref<1x8x1024xf32, #tpu.memory_space<hbm>> -> memref<8x1024xf32, #tpu.memory_space<hbm>>
    %dma_wait3A_144 = arith.constant 0 : i32
    %dma_wait3A_145 = tpu.memref_slice %arg4[%select_n3A, %add3A_135, %dma_wait3A_144] : memref<4x8192x1024xf32, #tpu.memory_space<hbm>> -> memref<1x8x1024xf32, #tpu.memory_space<hbm>>
    %dma_wait3A_146 = tpu.memref_squeeze %dma_wait3A_145 : memref<1x8x1024xf32, #tpu.memory_space<hbm>> -> memref<8x1024xf32, #tpu.memory_space<hbm>>
    %dma_wait3A_147 = arith.constant 0 : i32
    %dma_wait3A_148 = arith.constant 0 : i32
    %dma_wait3A_149 = tpu.memref_slice %arg6[%dma_wait3A_136, %dma_wait3A_147, %dma_wait3A_148] : memref<8x8x1024xf32, #tpu.memory_space<vmem>> -> memref<1x8x1024xf32, #tpu.memory_space<vmem>>
    %dma_wait3A_150 = tpu.memref_squeeze %dma_wait3A_149 : memref<1x8x1024xf32, #tpu.memory_space<vmem>> -> memref<8x1024xf32, #tpu.memory_space<vmem>>
    tpu.wait_dma2 semaphore(%arg15 : memref<!tpu.dma_semaphore, #tpu.memory_space<semaphore_mem>>) src(%dma_wait3A_150 : memref<8x1024xf32, #tpu.memory_space<vmem>>) dst(%dma_wait3A_146 : memref<8x1024xf32, #tpu.memory_space<hbm>>)
    %add3A_151 = arith.constant 968 : i32
    %add3A_152 = arith.addi %mul3A_32, %add3A_151 : i32
    %dma_wait3A_153 = arith.constant 1 : i32
    %dma_wait3A_154 = arith.constant 0 : i32
    %dma_wait3A_155 = arith.constant 0 : i32
    %dma_wait3A_156 = tpu.memref_slice %arg6[%dma_wait3A_153, %dma_wait3A_154, %dma_wait3A_155] : memref<8x8x1024xf32, #tpu.memory_space<vmem>> -> memref<1x8x1024xf32, #tpu.memory_space<vmem>>
    %dma_wait3A_157 = tpu.memref_squeeze %dma_wait3A_156 : memref<1x8x1024xf32, #tpu.memory_space<vmem>> -> memref<8x1024xf32, #tpu.memory_space<vmem>>
    %dma_wait3A_158 = arith.constant 0 : i32
    %dma_wait3A_159 = tpu.memref_slice %arg4[%select_n3A, %add3A_152, %dma_wait3A_158] : memref<4x8192x1024xf32, #tpu.memory_space<hbm>> -> memref<1x8x1024xf32, #tpu.memory_space<hbm>>
    %dma_wait3A_160 = tpu.memref_squeeze %dma_wait3A_159 : memref<1x8x1024xf32, #tpu.memory_space<hbm>> -> memref<8x1024xf32, #tpu.memory_space<hbm>>
    %dma_wait3A_161 = arith.constant 0 : i32
    %dma_wait3A_162 = tpu.memref_slice %arg4[%select_n3A, %add3A_152, %dma_wait3A_161] : memref<4x8192x1024xf32, #tpu.memory_space<hbm>> -> memref<1x8x1024xf32, #tpu.memory_space<hbm>>
    %dma_wait3A_163 = tpu.memref_squeeze %dma_wait3A_162 : memref<1x8x1024xf32, #tpu.memory_space<hbm>> -> memref<8x1024xf32, #tpu.memory_space<hbm>>
    %dma_wait3A_164 = arith.constant 0 : i32
    %dma_wait3A_165 = arith.constant 0 : i32
    %dma_wait3A_166 = tpu.memref_slice %arg6[%dma_wait3A_153, %dma_wait3A_164, %dma_wait3A_165] : memref<8x8x1024xf32, #tpu.memory_space<vmem>> -> memref<1x8x1024xf32, #tpu.memory_space<vmem>>
    %dma_wait3A_167 = tpu.memref_squeeze %dma_wait3A_166 : memref<1x8x1024xf32, #tpu.memory_space<vmem>> -> memref<8x1024xf32, #tpu.memory_space<vmem>>
    tpu.wait_dma2 semaphore(%arg16 : memref<!tpu.dma_semaphore, #tpu.memory_space<semaphore_mem>>) src(%dma_wait3A_167 : memref<8x1024xf32, #tpu.memory_space<vmem>>) dst(%dma_wait3A_163 : memref<8x1024xf32, #tpu.memory_space<hbm>>)
    %add3A_168 = arith.constant 976 : i32
    %add3A_169 = arith.addi %mul3A_32, %add3A_168 : i32
    %dma_wait3A_170 = arith.constant 2 : i32
    %dma_wait3A_171 = arith.constant 0 : i32
    %dma_wait3A_172 = arith.constant 0 : i32
    %dma_wait3A_173 = tpu.memref_slice %arg6[%dma_wait3A_170, %dma_wait3A_171, %dma_wait3A_172] : memref<8x8x1024xf32, #tpu.memory_space<vmem>> -> memref<1x8x1024xf32, #tpu.memory_space<vmem>>
    %dma_wait3A_174 = tpu.memref_squeeze %dma_wait3A_173 : memref<1x8x1024xf32, #tpu.memory_space<vmem>> -> memref<8x1024xf32, #tpu.memory_space<vmem>>
    %dma_wait3A_175 = arith.constant 0 : i32
    %dma_wait3A_176 = tpu.memref_slice %arg4[%select_n3A, %add3A_169, %dma_wait3A_175] : memref<4x8192x1024xf32, #tpu.memory_space<hbm>> -> memref<1x8x1024xf32, #tpu.memory_space<hbm>>
    %dma_wait3A_177 = tpu.memref_squeeze %dma_wait3A_176 : memref<1x8x1024xf32, #tpu.memory_space<hbm>> -> memref<8x1024xf32, #tpu.memory_space<hbm>>
    %dma_wait3A_178 = arith.constant 0 : i32
    %dma_wait3A_179 = tpu.memref_slice %arg4[%select_n3A, %add3A_169, %dma_wait3A_178] : memref<4x8192x1024xf32, #tpu.memory_space<hbm>> -> memref<1x8x1024xf32, #tpu.memory_space<hbm>>
    %dma_wait3A_180 = tpu.memref_squeeze %dma_wait3A_179 : memref<1x8x1024xf32, #tpu.memory_space<hbm>> -> memref<8x1024xf32, #tpu.memory_space<hbm>>
    %dma_wait3A_181 = arith.constant 0 : i32
    %dma_wait3A_182 = arith.constant 0 : i32
    %dma_wait3A_183 = tpu.memref_slice %arg6[%dma_wait3A_170, %dma_wait3A_181, %dma_wait3A_182] : memref<8x8x1024xf32, #tpu.memory_space<vmem>> -> memref<1x8x1024xf32, #tpu.memory_space<vmem>>
    %dma_wait3A_184 = tpu.memref_squeeze %dma_wait3A_183 : memref<1x8x1024xf32, #tpu.memory_space<vmem>> -> memref<8x1024xf32, #tpu.memory_space<vmem>>
    tpu.wait_dma2 semaphore(%arg17 : memref<!tpu.dma_semaphore, #tpu.memory_space<semaphore_mem>>) src(%dma_wait3A_184 : memref<8x1024xf32, #tpu.memory_space<vmem>>) dst(%dma_wait3A_180 : memref<8x1024xf32, #tpu.memory_space<hbm>>)
    %add3A_185 = arith.constant 984 : i32
    %add3A_186 = arith.addi %mul3A_32, %add3A_185 : i32
    %dma_wait3A_187 = arith.constant 3 : i32
    %dma_wait3A_188 = arith.constant 0 : i32
    %dma_wait3A_189 = arith.constant 0 : i32
    %dma_wait3A_190 = tpu.memref_slice %arg6[%dma_wait3A_187, %dma_wait3A_188, %dma_wait3A_189] : memref<8x8x1024xf32, #tpu.memory_space<vmem>> -> memref<1x8x1024xf32, #tpu.memory_space<vmem>>
    %dma_wait3A_191 = tpu.memref_squeeze %dma_wait3A_190 : memref<1x8x1024xf32, #tpu.memory_space<vmem>> -> memref<8x1024xf32, #tpu.memory_space<vmem>>
    %dma_wait3A_192 = arith.constant 0 : i32
    %dma_wait3A_193 = tpu.memref_slice %arg4[%select_n3A, %add3A_186, %dma_wait3A_192] : memref<4x8192x1024xf32, #tpu.memory_space<hbm>> -> memref<1x8x1024xf32, #tpu.memory_space<hbm>>
    %dma_wait3A_194 = tpu.memref_squeeze %dma_wait3A_193 : memref<1x8x1024xf32, #tpu.memory_space<hbm>> -> memref<8x1024xf32, #tpu.memory_space<hbm>>
    %dma_wait3A_195 = arith.constant 0 : i32
    %dma_wait3A_196 = tpu.memref_slice %arg4[%select_n3A, %add3A_186, %dma_wait3A_195] : memref<4x8192x1024xf32, #tpu.memory_space<hbm>> -> memref<1x8x1024xf32, #tpu.memory_space<hbm>>
    %dma_wait3A_197 = tpu.memref_squeeze %dma_wait3A_196 : memref<1x8x1024xf32, #tpu.memory_space<hbm>> -> memref<8x1024xf32, #tpu.memory_space<hbm>>
    %dma_wait3A_198 = arith.constant 0 : i32
    %dma_wait3A_199 = arith.constant 0 : i32
    %dma_wait3A_200 = tpu.memref_slice %arg6[%dma_wait3A_187, %dma_wait3A_198, %dma_wait3A_199] : memref<8x8x1024xf32, #tpu.memory_space<vmem>> -> memref<1x8x1024xf32, #tpu.memory_space<vmem>>
    %dma_wait3A_201 = tpu.memref_squeeze %dma_wait3A_200 : memref<1x8x1024xf32, #tpu.memory_space<vmem>> -> memref<8x1024xf32, #tpu.memory_space<vmem>>
    tpu.wait_dma2 semaphore(%arg18 : memref<!tpu.dma_semaphore, #tpu.memory_space<semaphore_mem>>) src(%dma_wait3A_201 : memref<8x1024xf32, #tpu.memory_space<vmem>>) dst(%dma_wait3A_197 : memref<8x1024xf32, #tpu.memory_space<hbm>>)
    %add3A_202 = arith.constant 992 : i32
    %add3A_203 = arith.addi %mul3A_32, %add3A_202 : i32
    %dma_wait3A_204 = arith.constant 4 : i32
    %dma_wait3A_205 = arith.constant 0 : i32
    %dma_wait3A_206 = arith.constant 0 : i32
    %dma_wait3A_207 = tpu.memref_slice %arg6[%dma_wait3A_204, %dma_wait3A_205, %dma_wait3A_206] : memref<8x8x1024xf32, #tpu.memory_space<vmem>> -> memref<1x8x1024xf32, #tpu.memory_space<vmem>>
    %dma_wait3A_208 = tpu.memref_squeeze %dma_wait3A_207 : memref<1x8x1024xf32, #tpu.memory_space<vmem>> -> memref<8x1024xf32, #tpu.memory_space<vmem>>
    %dma_wait3A_209 = arith.constant 0 : i32
    %dma_wait3A_210 = tpu.memref_slice %arg4[%select_n3A, %add3A_203, %dma_wait3A_209] : memref<4x8192x1024xf32, #tpu.memory_space<hbm>> -> memref<1x8x1024xf32, #tpu.memory_space<hbm>>
    %dma_wait3A_211 = tpu.memref_squeeze %dma_wait3A_210 : memref<1x8x1024xf32, #tpu.memory_space<hbm>> -> memref<8x1024xf32, #tpu.memory_space<hbm>>
    %dma_wait3A_212 = arith.constant 0 : i32
    %dma_wait3A_213 = tpu.memref_slice %arg4[%select_n3A, %add3A_203, %dma_wait3A_212] : memref<4x8192x1024xf32, #tpu.memory_space<hbm>> -> memref<1x8x1024xf32, #tpu.memory_space<hbm>>
    %dma_wait3A_214 = tpu.memref_squeeze %dma_wait3A_213 : memref<1x8x1024xf32, #tpu.memory_space<hbm>> -> memref<8x1024xf32, #tpu.memory_space<hbm>>
    %dma_wait3A_215 = arith.constant 0 : i32
    %dma_wait3A_216 = arith.constant 0 : i32
    %dma_wait3A_217 = tpu.memref_slice %arg6[%dma_wait3A_204, %dma_wait3A_215, %dma_wait3A_216] : memref<8x8x1024xf32, #tpu.memory_space<vmem>> -> memref<1x8x1024xf32, #tpu.memory_space<vmem>>
    %dma_wait3A_218 = tpu.memref_squeeze %dma_wait3A_217 : memref<1x8x1024xf32, #tpu.memory_space<vmem>> -> memref<8x1024xf32, #tpu.memory_space<vmem>>
    tpu.wait_dma2 semaphore(%arg19 : memref<!tpu.dma_semaphore, #tpu.memory_space<semaphore_mem>>) src(%dma_wait3A_218 : memref<8x1024xf32, #tpu.memory_space<vmem>>) dst(%dma_wait3A_214 : memref<8x1024xf32, #tpu.memory_space<hbm>>)
    %add3A_219 = arith.constant 1000 : i32
    %add3A_220 = arith.addi %mul3A_32, %add3A_219 : i32
    %dma_wait3A_221 = arith.constant 5 : i32
    %dma_wait3A_222 = arith.constant 0 : i32
    %dma_wait3A_223 = arith.constant 0 : i32
    %dma_wait3A_224 = tpu.memref_slice %arg6[%dma_wait3A_221, %dma_wait3A_222, %dma_wait3A_223] : memref<8x8x1024xf32, #tpu.memory_space<vmem>> -> memref<1x8x1024xf32, #tpu.memory_space<vmem>>
    %dma_wait3A_225 = tpu.memref_squeeze %dma_wait3A_224 : memref<1x8x1024xf32, #tpu.memory_space<vmem>> -> memref<8x1024xf32, #tpu.memory_space<vmem>>
    %dma_wait3A_226 = arith.constant 0 : i32
    %dma_wait3A_227 = tpu.memref_slice %arg4[%select_n3A, %add3A_220, %dma_wait3A_226] : memref<4x8192x1024xf32, #tpu.memory_space<hbm>> -> memref<1x8x1024xf32, #tpu.memory_space<hbm>>
    %dma_wait3A_228 = tpu.memref_squeeze %dma_wait3A_227 : memref<1x8x1024xf32, #tpu.memory_space<hbm>> -> memref<8x1024xf32, #tpu.memory_space<hbm>>
    %dma_wait3A_229 = arith.constant 0 : i32
    %dma_wait3A_230 = tpu.memref_slice %arg4[%select_n3A, %add3A_220, %dma_wait3A_229] : memref<4x8192x1024xf32, #tpu.memory_space<hbm>> -> memref<1x8x1024xf32, #tpu.memory_space<hbm>>
    %dma_wait3A_231 = tpu.memref_squeeze %dma_wait3A_230 : memref<1x8x1024xf32, #tpu.memory_space<hbm>> -> memref<8x1024xf32, #tpu.memory_space<hbm>>
    %dma_wait3A_232 = arith.constant 0 : i32
    %dma_wait3A_233 = arith.constant 0 : i32
    %dma_wait3A_234 = tpu.memref_slice %arg6[%dma_wait3A_221, %dma_wait3A_232, %dma_wait3A_233] : memref<8x8x1024xf32, #tpu.memory_space<vmem>> -> memref<1x8x1024xf32, #tpu.memory_space<vmem>>
    %dma_wait3A_235 = tpu.memref_squeeze %dma_wait3A_234 : memref<1x8x1024xf32, #tpu.memory_space<vmem>> -> memref<8x1024xf32, #tpu.memory_space<vmem>>
    tpu.wait_dma2 semaphore(%arg20 : memref<!tpu.dma_semaphore, #tpu.memory_space<semaphore_mem>>) src(%dma_wait3A_235 : memref<8x1024xf32, #tpu.memory_space<vmem>>) dst(%dma_wait3A_231 : memref<8x1024xf32, #tpu.memory_space<hbm>>)
    %add3A_236 = arith.constant 1008 : i32
    %add3A_237 = arith.addi %mul3A_32, %add3A_236 : i32
    %dma_wait3A_238 = arith.constant 6 : i32
    %dma_wait3A_239 = arith.constant 0 : i32
    %dma_wait3A_240 = arith.constant 0 : i32
    %dma_wait3A_241 = tpu.memref_slice %arg6[%dma_wait3A_238, %dma_wait3A_239, %dma_wait3A_240] : memref<8x8x1024xf32, #tpu.memory_space<vmem>> -> memref<1x8x1024xf32, #tpu.memory_space<vmem>>
    %dma_wait3A_242 = tpu.memref_squeeze %dma_wait3A_241 : memref<1x8x1024xf32, #tpu.memory_space<vmem>> -> memref<8x1024xf32, #tpu.memory_space<vmem>>
    %dma_wait3A_243 = arith.constant 0 : i32
    %dma_wait3A_244 = tpu.memref_slice %arg4[%select_n3A, %add3A_237, %dma_wait3A_243] : memref<4x8192x1024xf32, #tpu.memory_space<hbm>> -> memref<1x8x1024xf32, #tpu.memory_space<hbm>>
    %dma_wait3A_245 = tpu.memref_squeeze %dma_wait3A_244 : memref<1x8x1024xf32, #tpu.memory_space<hbm>> -> memref<8x1024xf32, #tpu.memory_space<hbm>>
    %dma_wait3A_246 = arith.constant 0 : i32
    %dma_wait3A_247 = tpu.memref_slice %arg4[%select_n3A, %add3A_237, %dma_wait3A_246] : memref<4x8192x1024xf32, #tpu.memory_space<hbm>> -> memref<1x8x1024xf32, #tpu.memory_space<hbm>>
    %dma_wait3A_248 = tpu.memref_squeeze %dma_wait3A_247 : memref<1x8x1024xf32, #tpu.memory_space<hbm>> -> memref<8x1024xf32, #tpu.memory_space<hbm>>
    %dma_wait3A_249 = arith.constant 0 : i32
    %dma_wait3A_250 = arith.constant 0 : i32
    %dma_wait3A_251 = tpu.memref_slice %arg6[%dma_wait3A_238, %dma_wait3A_249, %dma_wait3A_250] : memref<8x8x1024xf32, #tpu.memory_space<vmem>> -> memref<1x8x1024xf32, #tpu.memory_space<vmem>>
    %dma_wait3A_252 = tpu.memref_squeeze %dma_wait3A_251 : memref<1x8x1024xf32, #tpu.memory_space<vmem>> -> memref<8x1024xf32, #tpu.memory_space<vmem>>
    tpu.wait_dma2 semaphore(%arg21 : memref<!tpu.dma_semaphore, #tpu.memory_space<semaphore_mem>>) src(%dma_wait3A_252 : memref<8x1024xf32, #tpu.memory_space<vmem>>) dst(%dma_wait3A_248 : memref<8x1024xf32, #tpu.memory_space<hbm>>)
    %add3A_253 = arith.constant 1016 : i32
    %add3A_254 = arith.addi %mul3A_32, %add3A_253 : i32
    %dma_wait3A_255 = arith.constant 7 : i32
    %dma_wait3A_256 = arith.constant 0 : i32
    %dma_wait3A_257 = arith.constant 0 : i32
    %dma_wait3A_258 = tpu.memref_slice %arg6[%dma_wait3A_255, %dma_wait3A_256, %dma_wait3A_257] : memref<8x8x1024xf32, #tpu.memory_space<vmem>> -> memref<1x8x1024xf32, #tpu.memory_space<vmem>>
    %dma_wait3A_259 = tpu.memref_squeeze %dma_wait3A_258 : memref<1x8x1024xf32, #tpu.memory_space<vmem>> -> memref<8x1024xf32, #tpu.memory_space<vmem>>
    %dma_wait3A_260 = arith.constant 0 : i32
    %dma_wait3A_261 = tpu.memref_slice %arg4[%select_n3A, %add3A_254, %dma_wait3A_260] : memref<4x8192x1024xf32, #tpu.memory_space<hbm>> -> memref<1x8x1024xf32, #tpu.memory_space<hbm>>
    %dma_wait3A_262 = tpu.memref_squeeze %dma_wait3A_261 : memref<1x8x1024xf32, #tpu.memory_space<hbm>> -> memref<8x1024xf32, #tpu.memory_space<hbm>>
    %dma_wait3A_263 = arith.constant 0 : i32
    %dma_wait3A_264 = tpu.memref_slice %arg4[%select_n3A, %add3A_254, %dma_wait3A_263] : memref<4x8192x1024xf32, #tpu.memory_space<hbm>> -> memref<1x8x1024xf32, #tpu.memory_space<hbm>>
    %dma_wait3A_265 = tpu.memref_squeeze %dma_wait3A_264 : memref<1x8x1024xf32, #tpu.memory_space<hbm>> -> memref<8x1024xf32, #tpu.memory_space<hbm>>
    %dma_wait3A_266 = arith.constant 0 : i32
    %dma_wait3A_267 = arith.constant 0 : i32
    %dma_wait3A_268 = tpu.memref_slice %arg6[%dma_wait3A_255, %dma_wait3A_266, %dma_wait3A_267] : memref<8x8x1024xf32, #tpu.memory_space<vmem>> -> memref<1x8x1024xf32, #tpu.memory_space<vmem>>
    %dma_wait3A_269 = tpu.memref_squeeze %dma_wait3A_268 : memref<1x8x1024xf32, #tpu.memory_space<vmem>> -> memref<8x1024xf32, #tpu.memory_space<vmem>>
    tpu.wait_dma2 semaphore(%arg22 : memref<!tpu.dma_semaphore, #tpu.memory_space<semaphore_mem>>) src(%dma_wait3A_269 : memref<8x1024xf32, #tpu.memory_space<vmem>>) dst(%dma_wait3A_265 : memref<8x1024xf32, #tpu.memory_space<hbm>>)
    return
  }
}

</mosaic_0001>

<sc_bundles>
// kernel: kernel.3.cloned.1.call-start
scs
__scs_entry_jumppad:
0x0: {  	(pc) =	sbr.rel $0x88, $3  }
0x1: {  	(tag) =	ssettag $0x0;
	lr =	simm.s32 $0x1  }
0x2: {  	[smem:$0x3F9F] =	sst lr;
	_ =	strace $0xD0000000  }
0x3: {  	_ = 	snop  }
0x4: {  	_ = 	snop  }
0x5: {  	_ = 	snop  }
0x6: {  	_ = 	snop  }
0x7: {  	_ = 	snop  }
__scs_overlays_trampoline_lowered:
0x8: {  	[smem:$0x3FAE] =	sst s0  }
0x9: {  	[smem:$0x3FAF] =	sst s1  }
0xa: {  	[smem:$0x3FB0] =	sst s2  }
0xb: {  	[smem:$0x3FB1] =	sst s3  }
0xc: {  	[smem:$0x3FB2] =	sst s4  }
0xd: {  	[smem:$0x3FB3] =	sst s5  }
0xe: {  	[smem:$0x3FB4] =	sst s6  }
0xf: {  	[smem:$0x3FB5] =	sst s7  }
0x10: {  	[smem:$0x3FB6] =	sst s8  }
0x11: {  	[smem:$0x3FB7] =	sst s9;
	s0 =	simm.s32 @!p0 $0x0  }
0x12: {  	s1 =	sld [smem:$0x3F9D];
	s0 =	simm.s32 @p0 $0x1  }
0x13: {  	[smem:$0x3FB8] =	sst s0;
	s0 =	simm.s32 @!p1 $0x0  }
0x14: {  	s2 =	sld [smem:$0x3F9C];
	s0 =	simm.s32 @p1 $0x1  }
0x15: {  	[smem:$0x3FB9] =	sst s0;
	s0 =	simm.s32 @!p2 $0x0  }
0x16: {  	s3 =	sld [smem:$0x3FDB];
	s0 =	simm.s32 @p2 $0x1  }
0x17: {  	s4 =	simm.s32 $0x1BF5;
	[smem:$0x3FBB] =	sst s0  }
0x18: {  	s0 =	sld [smem:$0x3F9E];
	_ =	swait.ge [sflag:s4], $0x0  }
0x19: {  	s7 =	sld [smem:$0x3F9F]  }
0x1a: {  	s8 =	sadd.s32 $0xFFFFE003, lr  }
0x1b: {  	s9 =	sadd.s32 $0xFFFFFEF7, lr;
	s5 =	simm.s32 $0xFFFFFFFF;
	p2 =	slt.u32 s8, $0xFFFFF086  }
0x1c: {  	p1 =	slt.u32 s9, $0xF7A;
	s5 =	simm.s32 @!p2 $0x0  }
0x1d: {  	s5 =	simm.s32 @p1 $0x1;
	p0 =	seq.s32 s7, s2  }
0x1e: {  	s7 =	smul.u32 @!p0 $0xF7A, s2;
	p2 =	seq.s32 @!p0 s5, $0x0  }
0x1f: {  	s9 =	smul.u32 $0xF7A, s1;
	s8 =	simm.s32 @!p0 $0x1BF5;
	p2 =	por !p2, p0  }
0x20: {  	[sflag:s8] =	ssyncset.s32 @!p0 $0xFFFFF086;
	s6 =	sadd.s32 @!p0 s3, s7;
	s7 =	simm.s32 @!p0 $0x108  }
0x21: {  	s3 =	sadd.s32 s3, s9;
	s6 =	sadd.s32 @!p0 $0x88, s6;
	s7 =	simm.s32 @p2 $0x1082  }
0x22: {  	[simem:s7], [sflag:s8] =	dma.local @!p0 [hbm:s6], $0xF7A  }
0x23: {  	s9 =	sor.u32 $0xD0000000, s2;
	s6 =	simm.s32 $0x108;
	_ =	swait.ge @!p0 [sflag:s8], $0x0  }
0x24: {  	s3 =	sadd.s32 $0x88, s3;
	s6 =	simm.s32 @!p1 $0x1082;
	[sflag:s4] =	ssyncset.s32 $0xFFFFF086  }
0x25: {  	[simem:s6], [sflag:s4] =	dma.local [hbm:s3], $0xF7A  }
0x26: {  	[smem:$0x3F9F] =	sst s1;
	(tag) =	ssettag s2;
	_ =	strace s9  }
0x27: {  	s1 =	sld [smem:$0x3FAF]  }
0x28: {  	s2 =	sld [smem:$0x3FB0]  }
0x29: {  	s4 =	sld [smem:$0x3FB2]  }
0x2a: {  	p0 =	seq.s32 s5, $0x0;
	s5 =	sld [smem:$0x3FB3]  }
0x2b: {  	s6 =	sld [smem:$0x3FB4]  }
0x2c: {  	s7 =	sld [smem:$0x3FB5]  }
0x2d: {  	s3 =	simm.s32 $0x108;
	s8 =	sld [smem:$0x3FB6]  }
0x2e: {  	s3 =	simm.s32 @!p0 $0x1082;
	s9 =	sld [smem:$0x3FB7]  }
0x2f: {  	lr =	sadd.s32 s0, s3;
	s0 =	sld [smem:$0x3FAE]  }
0x30: {  	s3 =	sld [smem:$0x3FB1]  }
0x31: {  	[smem:$0x3FBA] =	sst s10  }
0x32: {  	s10 =	sld [smem:$0x3FB8];
	_ =	sdelay $0x3  }
0x33: {  	p0 =	seq.s32 s10, $0x1;
	s10 =	sld [smem:$0x3FBA];
	_ =	sdelay $0x3  }
0x34: {  	[smem:$0x3FBA] =	sst s10  }
0x35: {  	s10 =	sld [smem:$0x3FB9];
	_ =	sdelay $0x3  }
0x36: {  	p1 =	seq.s32 s10, $0x1;
	s10 =	sld [smem:$0x3FBA];
	_ =	sdelay $0x3  }
0x37: {  	[smem:$0x3FBA] =	sst s10  }
0x38: {  	s10 =	sld [smem:$0x3FBB]  }
0x39: {  	_ = 	snop;
	(pc) =	sbr.ind lr, $3  }
0x3a: {  	_ = 	snop  }
0x3b: {  	_ = 	snop  }
0x3c: {  	p2 =	seq.s32 s10, $0x1;
	s10 =	sld [smem:$0x3FBA]  }
0x3d: {  	_ =	shalt  }
0x3e: {  	_ =	shalt  }
0x3f: {  	_ =	shalt  }
0x40: {  	_ =	shalt  }
0x41: {  	_ =	shalt  }
0x42: {  	_ =	shalt  }
0x43: {  	_ =	shalt  }
0x44: {  	_ =	shalt  }
0x45: {  	_ =	shalt  }
0x46: {  	_ =	shalt  }
0x47: {  	_ =	shalt  }
0x48: {  	_ =	shalt  }
0x49: {  	_ =	shalt  }
0x4a: {  	_ =	shalt  }
0x4b: {  	_ =	shalt  }
0x4c: {  	_ =	shalt  }
0x4d: {  	_ =	shalt  }
0x4e: {  	_ =	shalt  }
0x4f: {  	_ =	shalt  }
0x50: {  	_ =	shalt  }
0x51: {  	_ =	shalt  }
0x52: {  	_ =	shalt  }
0x53: {  	_ =	shalt  }
0x54: {  	_ =	shalt  }
0x55: {  	_ =	shalt  }
0x56: {  	_ =	shalt  }
0x57: {  	_ =	shalt  }
0x58: {  	_ =	shalt  }
0x59: {  	_ =	shalt  }
0x5a: {  	_ =	shalt  }
0x5b: {  	_ =	shalt  }
0x5c: {  	_ =	shalt  }
0x5d: {  	_ =	shalt  }
0x5e: {  	_ =	shalt  }
0x5f: {  	_ =	shalt  }
0x60: {  	_ =	shalt  }
0x61: {  	_ =	shalt  }
0x62: {  	_ =	shalt  }
0x63: {  	_ =	shalt  }
0x64: {  	_ =	shalt  }
0x65: {  	_ =	shalt  }
0x66: {  	_ =	shalt  }
0x67: {  	_ =	shalt  }
0x68: {  	_ =	shalt  }
0x69: {  	_ =	shalt  }
0x6a: {  	_ =	shalt  }
0x6b: {  	_ =	shalt  }
0x6c: {  	_ =	shalt  }
0x6d: {  	_ =	shalt  }
0x6e: {  	_ =	shalt  }
0x6f: {  	_ =	shalt  }
0x70: {  	_ =	shalt  }
0x71: {  	_ =	shalt  }
0x72: {  	_ =	shalt  }
0x73: {  	_ =	shalt  }
0x74: {  	_ =	shalt  }
0x75: {  	_ =	shalt  }
0x76: {  	_ =	shalt  }
0x77: {  	_ =	shalt  }
0x78: {  	_ =	shalt  }
0x79: {  	_ =	shalt  }
0x7a: {  	_ =	shalt  }
0x7b: {  	_ =	shalt  }
0x7c: {  	_ =	shalt  }
0x7d: {  	_ =	shalt  }
0x7e: {  	_ =	shalt  }
0x7f: {  	_ =	shalt  }
0x80: {  	_ =	shalt  }
0x81: {  	_ =	shalt  }
0x82: {  	_ =	shalt  }
0x83: {  	_ =	shalt  }
0x84: {  	_ =	shalt  }
0x85: {  	_ =	shalt  }
0x86: {  	_ =	shalt  }
0x87: {  	_ =	shalt  }
.Lfunc_end0:
.L_simem_size_0:
called_computation_lowered:
.L_overlay_start_0:
0x88: {  	s2 =	sld [smem:$0x3FD9]  }
0x89: {  	s3 =	sld [smem:$0x3FFE];
	_ =	sdelay $0x1  }
0x8a: {  	s1 =	srdreg.scid  }
0x8b: {  	s0 =	sand.u32 $0x1, s1  }
0x8c: {  	s18 =	sshll.u32 s0, $0xA;
	s2 =	sadd.s32 s3, s2  }
0x8d: {  	s2 =	sadd.s32 s2, s18  }
0x8e: {  	[smem:$0x3FC6] =	sst s2  }
0x8f: {  	_ = 	snop  }
0x90: {  	s2 =	sld [smem:$0x3FC9]  }
0x91: {  	s19 =	sld [smem:$0x3FC8]  }
0x92: {  	s4 =	sld [smem:$0x3FD0];
	(tm) =	ssettm $0x1  }
0x93: {  	s5 =	sld [smem:$0x3FFB];
	_ =	sdelay $0x3  }
0x94: {  	_ =	strace s5  }
0x95: {  	s5 =	sld [smem:$0x3FFC];
	_ =	sdelay $0x3  }
0x96: {  	_ =	strace s5  }
0x97: {  	s5 =	sld [smem:$0x3FFD];
	_ =	sdelay $0x3  }
0x98: {  	_ =	strace s5  }
0x99: {  	_ =	strace $0x8FFFFFFF  }
0x9a: {  	s20 =	sld [smem:$0x3FDB];
	_ =	sdelay $0x1  }
0x9b: {  	s6 =	simm.s32 $_scs_section_size  }
0x9c: {  	s7 =	simm.s32 $_size__tile_overlayer_lowered;
	s8 =	simm.s32 $_tile_overlayer_lowered  }
0x9d: {  	s23 =	simm.s32 $0x1BFF;
	s22 =	sshll.u32 s8, $0x1;
	s5 =	sadd.s32 s6, s20  }
0x9e: {  	s9 =	simm.s32 $0x0;
	s21 =	sshll.u32 s7, $0x1;
	s7 =	sadd.s32 s22, s5  }
0x9f: {  	[timem:s9], [sflag:s23] =	dma.local [hbm:s7], s21  }
0xa0: {  	_ =	swait.ge [sflag:s23], s21  }
0xa1: {  	s6 =	ssub.s32 $0x0, s21;
	[sflag:s23] =	ssyncset.done $0x0  }
0xa2: {  	[sflag:s23] =	ssyncadd.s32 s6;
	_ =	sdelay $0x1  }
0xa3: {  	s24 =	simm.s32 $0x1B8B  }
0xa4: {  	_ =	swait.ge [sflag:s24], $0x1  }
0xa5: {  	[sflag:s24] =	ssyncset.done $0x0  }
0xa6: {  	s25 =	simm.s32 $0x1B8E;
	[sflag:s24] =	ssyncadd.s32 $0xFFFFFFFF  }
0xa7: {  	s26 =	simm.s32 $execute0_lowered;
	[smem:$0x3FD2] =	sst s25  }
0xa8: {  	s6 =	sshll.u32 s26, $0x1;
	_ =	strace $0x80000046;
	[dreg:$0x1] =	wrdreg $0xFFFFFFFF  }
0xa9: {  	s28 =	simm.s32 $_size_execute0_lowered;
	s5 =	sadd.s32 s5, s6;
	[dreg:$0x0] =	wrdreg $0x0  }
0xaa: {  	s6 =	sshll.u32 s28, $0x1;
	[dreg:$0x2] =	wrdreg s5  }
0xab: {  	[dreg:$0x3] =	wrdreg s6  }
0xac: {  	[dreg:$0x4] =	wrdreg $0xC0  }
0xad: {  	_ =	task [dreg:s9], $0x5FFFF  }
0xae: {  	[dreg:$0x1] =	wrdreg $0xFFFFFFFF  }
0xaf: {  	[dreg:$0x0] =	wrdreg $0x60  }
0xb0: {  	[dreg:$0x2] =	wrdreg s19  }
0xb1: {  	[dreg:$0x3] =	wrdreg s2  }
0xb2: {  	[dreg:$0x4] =	wrdreg s4  }
0xb3: {  	[dreg:$0x5] =	wrdreg $0x9  }
0xb4: {  	_ =	task.clear_ibuf [dreg:s9], $0x6FFFF;
	_ =	strace $0x90000046  }
0xb5: {  	s29 =	simm.s32 $0x9;
	_ =	strace $0x80000048  }
0xb6: {  	_ =	swait.ge [sflag:s29], $0x1  }
0xb7: {  	[sflag:s29] =	ssyncadd.s32 $0xFFFFFFFF  }
0xb8: {  	_ =	strace $0x90000048  }
0xb9: {  	_ =	sfence  }
0xba: {  	s30 =	sld [smem:$0x0];
	_ =	sdelay $0x2  }
0xbb: {  	s31 =	sshll.u32 s1, $0xD;
	s1 =	sshrl.u32 s1, $0x2  }
0xbc: {  	s3 =	sand.u32 $0x4000, s31;
	s1 =	sadd.s32 s1, s30  }
0xbd: {  	s0 =	sor.u32 s3, s0;
	s1 =	sshll.u32 s1, $0x11  }
0xbe: {  	s0 =	sor.u32 s1, s0  }
0xbf: {  	s0 =	sadd.s32 $0x8F2B, s0  }
0xc0: {  	[sflag:s0] =	ssyncadd.remote.s32 $0x1  }
0xc1: {  	_ =	sfence.sel $0xFFFF  }
0xc2: {  	[dreg:$0x0] =	wrdreg $0xFFFFFFFF;
	(pc) =	sbr.abs _section_cstart, $3  }
0xc3: {  	[dreg:$0x1] =	wrdreg $0xFFFFFFFF  }
0xc4: {  	_ =	task.clear_ibuf [dreg:s9], $0x2FFFF;
	_ =	strace $0x9FFFFFFF  }
0xc5: {  	(tm) =	ssettm $0x7FFFFFFF  }
tec
execute0_lowered:
.L_overlay_start_1:
0x0: {  	(tag) =	ssettag $0x1  }
0x1: {  	s1 =	rddreg [dreg:$0x0]  }
0x2: {  	s0 =	rddreg [dreg:$0x1]  }
0x3: {  	s2 =	rddreg [dreg:$0x2]  }
0x4: {  	s3 =	simm.s32 $0x0;
	s11 =	stileid.u32;
	s4 =	srdreg.scid  }
0x5: {  	s31 =	simm.s32 $0x6400;
	s17 =	simm.s32 $0x8400;
	s29 =	simm.s32 $0xC400  }
0x6: {  	s28 =	simm.s32 $0x5;
	s30 =	simm.s32 $0xC;
	s15 =	simm.s32 $0x0  }
0x7: {  	[smem:$0x7FF] =	sst s3;
	s5 =	sshll.u32 s11, $0x1;
	s4 =	sand.u32 $0x1, s4  }
0x8: {  	s7 =	sshrl.u32 s11, $0x2;
	s18 =	sand.u32 $0x3, s11;
	_ =	strace $0x80000047  }
0x9: {  	s5 =	sand.u32 $0x6, s5;
	s6 =	ssub.s32 $0x2, s4;
	s9 =	sshll.u32 s7, $0x4  }
0xa: {  	s20 =	sshll.u32 s7, $0x17;
	s21 =	sshll.u32 s18, $0x15;
	s7 =	sadd.s32 $0x200, s1  }
0xb: {  	s5 =	sor.u32 s4, s5;
	s8 =	sshrl.u32 s6, $0x1;
	s4 =	sshll.u32 s4, $0x14  }
0xc: {  	s5 =	sshll.u32 s5, $0x9;
	s10 =	ssub.s32 s6, s8;
	s6 =	sadd.s32 $0x100, s1  }
0xd: {  	s8 =	sadd.s32 $0x300, s1;
	s5 =	sor.u32 s9, s5;
	s24 =	smax.u32 s10, $0x1  }
0xe: {  	s9 =	simm.s32 $0x7;
	s19 =	sadd.s32 s0, s5;
	s0 =	sor.u32 s21, s20  }
0xf: {  	[dreg:$0x6] =	wrdreg s24;
	s21 =	simm.s32 $0xE400;
	s20 =	simm.s32 $0x2  }
0x10: {  	s24 =	simm.s32 $0x3;
	[dreg:$0x4] =	wrdreg s19;
	s22 =	sadd.s32 $0x40, s19  }
0x11: {  	s0 =	sor.u32 s4, s0;
	s19 =	simm.s32 $0x1;
	[dreg:$0x5] =	wrdreg s22  }
0x12: {  	s4 =	sor.u32 $0x8000, s0;
	s23 =	sor.u32 $0xA000, s0;
	s25 =	sor.u32 $0xE000, s0  }
0x13: {  	s26 =	sshrl.u32 s0, $0x3;
	s0 =	sor.u32 $0xC000, s0;
	s22 =	simm.s32 $0x2400  }
.Ltmp0:
0x14: {  	s4 =	sshrl.u32 s4, $0x3;
	s5 =	sshrl.u32 s23, $0x3;
	(pc) =	sbr.rel .LBB2_1-.Ltmp0, $4  }
0x15: {  	s12 =	sadd.s32 s26, s2;
	s0 =	sshrl.u32 s0, $0x3;
	s26 =	simm.s32 $0x4400  }
0x16: {  	v0 =	vlaneseq.u32;
	s23 =	simm.s32 $0xA400;
	s10 =	sadd.s32 s4, s2;
	s11 =	sadd.s32 s5, s2  }
0x17: {  	v1 =	vshrl.u32 v0, $0x3;
	s4 =	sshrl.u32 s25, $0x3;
	s14 =	sadd.s32 s0, s2;
	s25 =	simm.s32 $0x4  }
0x18: {  	vm0 =	vmmov $0xffff;
	v0 =	vand.u32 $0x7, v0;
	v1 =	vmul.u32 $0x8, v1;
	s5 =	simm.s32 $0x6;
	s13 =	sadd.s32 s4, s2;
	s4 =	simm.s32 $0x8  }
.LBB2_4:
0x19: {  	s0 =	simm.s32 $0x9  }
0x1a: {  	_ =	swait.ge [sflag:s0], $0x2000  }
0x1b: {  	[sflag:s0] =	ssyncset.done $0x0  }
0x1c: {  	s16 =	simm.s32 $0xA;
	[sflag:s0] =	ssyncadd.s32 $0xFFFFE000  }
0x1d: {  	_ =	swait.ge [sflag:s16], $0x2000  }
0x1e: {  	[sflag:s16] =	ssyncset.done $0x0  }
0x1f: {  	s18 =	simm.s32 $0xB;
	[sflag:s16] =	ssyncadd.s32 $0xFFFFE000  }
0x20: {  	_ =	swait.ge [sflag:s18], $0x2000  }
0x21: {  	[sflag:s18] =	ssyncset.done $0x0  }
0x22: {  	[sflag:s18] =	ssyncadd.s32 $0xFFFFE000  }
0x23: {  	_ =	swait.ge [sflag:s30], $0x2000  }
0x24: {  	[sflag:s30] =	ssyncset.done $0x0  }
0x25: {  	s2 =	simm.s32 $0xD;
	[sflag:s30] =	ssyncadd.s32 $0xFFFFE000  }
0x26: {  	_ =	swait.ge [sflag:s2], $0x2000  }
0x27: {  	[sflag:s2] =	ssyncset.done $0x0  }
0x28: {  	s15 =	simm.s32 $0xE;
	[sflag:s2] =	ssyncadd.s32 $0xFFFFE000  }
0x29: {  	_ =	swait.ge [sflag:s15], $0x2000  }
0x2a: {  	[sflag:s15] =	ssyncset.done $0x0  }
0x2b: {  	s16 =	simm.s32 $0xF;
	[sflag:s15] =	ssyncadd.s32 $0xFFFFE000  }
0x2c: {  	_ =	swait.ge [sflag:s16], $0x2000  }
0x2d: {  	[sflag:s16] =	ssyncset.done $0x0  }
0x2e: {  	s2 =	simm.s32 $0x10;
	[sflag:s16] =	ssyncadd.s32 $0xFFFFE000  }
0x2f: {  	_ =	swait.ge [sflag:s2], $0x2000  }
0x30: {  	s15 =	rddreg [dreg:$0x7]  }
0x31: {  	s18 =	rddreg [dreg:$0x6];
	s15 =	sadd.s32 $0x1, s15  }
0x32: {  	p0 =	sne.s32 s15, s18  }
.Ltmp1:
0x33: {  	_ = 	snop;
	(pc) =	sbr.rel @!p0 .LBB2_5-.Ltmp1, $3  }
0x34: {  	_ =	sdelay $0x1  }
0x35: {  	[sflag:s2] =	ssyncset.done $0x0  }
0x36: {  	[sflag:s2] =	ssyncadd.s32 $0xFFFFE000  }
.LBB2_1:
0x37: {  	[dreg:$0x7] =	wrdreg s15  }
0x38: {  	s0 =	rddreg [dreg:$0x4];
	s15 =	simm.s32 $0x12  }
0x39: {  	[tilespmem:s3], [sflag:$0x12] =	stream.linear.gather [hbm4b:s0+s3], $0x80, $0x38;
	[tilespmem:$0x10400] =	vst v63  }
0x3a: {  	_ =	swait.ge [sflag:s15], $0x80  }
0x3b: {  	s2 =	simm.s32 $0x200;
	[sflag:s15] =	ssyncset.done $0x0  }
0x3c: {  	s18 =	simm.s32 $0x80;
	s16 =	rddreg [dreg:$0x5];
	[sflag:s15] =	ssyncadd.s32 $0xFFFFFF80  }
0x3d: {  	[tilespmem:s18], [sflag:$0x11] =	stream.strided.gather [hbm4b:s16+s18], $0x380, s2, s18, $0x38;
	[tilespmem:$0x10400] =	vst v63  }
0x3e: {  	v2 =	vld.msk [tilespmem:$0x0], $0xff;
	_ =	sdelay $0x4  }
0x3f: {  	v3 =	vshll.u32 v2, $0x3  }
0x40: {  	v2 =	vand.u32 $0x7, v2;
	v3 =	vand.u32 $0xFFFFFFC0, v3  }
0x41: {  	v2 =	vor.u32 v2, v3  }
0x42: {  	v2 =	vperm.xlane v2, v0;
	_ =	sdelay $0x1  }
0x43: {  	v2 =	vadd.s32 v1, v2;
	_ =	sdelay $0x3  }
0x44: {  	s16 =	simm.s32 $0x400  }
0x45: {  	[tilespmem:s16], [sflag:$0x1] =	stream.indirect_vreg.gather [hbm4b:s1+s3], $0x80, v2, vm0, $0xb8;
	[tilespmem:$0x10400] =	vst v63  }
0x46: {  	s18 =	simm.s32 $0xC00  }
0x47: {  	[tilespmem:s18], [sflag:$0x1] =	stream.indirect_vreg.gather [hbm4b:s6+s3], $0x80, v2, vm0, $0xb8;
	[tilespmem:$0x10400] =	vst v63  }
0x48: {  	s2 =	simm.s32 $0x1400  }
0x49: {  	[tilespmem:s2], [sflag:$0x1] =	stream.indirect_vreg.gather [hbm4b:s7+s3], $0x80, v2, vm0, $0xb8;
	[tilespmem:$0x10400] =	vst v63  }
0x4a: {  	s15 =	simm.s32 $0x1C00  }
0x4b: {  	[tilespmem:s15], [sflag:$0x1] =	stream.indirect_vreg.gather [hbm4b:s8+s3], $0x80, v2, vm0, $0xb8;
	[tilespmem:$0x10400] =	vst v63  }
0x4c: {  	v2 =	vld.msk [tilespmem:$0x8], $0xff;
	_ =	sdelay $0x4  }
0x4d: {  	v3 =	vshll.u32 v2, $0x3  }
0x4e: {  	v2 =	vand.u32 $0x7, v2;
	v3 =	vand.u32 $0xFFFFFFC0, v3  }
0x4f: {  	v2 =	vor.u32 v2, v3  }
0x50: {  	v2 =	vperm.xlane v2, v0;
	_ =	sdelay $0x1  }
0x51: {  	v2 =	vadd.s32 v1, v2;
	_ =	sdelay $0x4  }
0x52: {  	[tilespmem:s22], [sflag:$0x2] =	stream.indirect_vreg.gather [hbm4b:s1+s3], $0x80, v2, vm0, $0xb8;
	[tilespmem:$0x10400] =	vst v63  }
0x53: {  	s16 =	simm.s32 $0x2C00  }
0x54: {  	[tilespmem:s16], [sflag:$0x2] =	stream.indirect_vreg.gather [hbm4b:s6+s3], $0x80, v2, vm0, $0xb8;
	[tilespmem:$0x10400] =	vst v63  }
0x55: {  	s18 =	simm.s32 $0x3400  }
0x56: {  	[tilespmem:s18], [sflag:$0x2] =	stream.indirect_vreg.gather [hbm4b:s7+s3], $0x80, v2, vm0, $0xb8;
	[tilespmem:$0x10400] =	vst v63  }
0x57: {  	s2 =	simm.s32 $0x3C00  }
0x58: {  	[tilespmem:s2], [sflag:$0x2] =	stream.indirect_vreg.gather [hbm4b:s8+s3], $0x80, v2, vm0, $0xb8;
	[tilespmem:$0x10400] =	vst v63  }
0x59: {  	v2 =	vld.msk [tilespmem:$0x10], $0xff;
	_ =	sdelay $0x4  }
0x5a: {  	v3 =	vshll.u32 v2, $0x3  }
0x5b: {  	v2 =	vand.u32 $0x7, v2;
	v3 =	vand.u32 $0xFFFFFFC0, v3  }
0x5c: {  	v2 =	vor.u32 v2, v3  }
0x5d: {  	v2 =	vperm.xlane v2, v0;
	_ =	sdelay $0x1  }
0x5e: {  	v2 =	vadd.s32 v1, v2;
	_ =	sdelay $0x4  }
0x5f: {  	[tilespmem:s26], [sflag:$0x3] =	stream.indirect_vreg.gather [hbm4b:s1+s3], $0x80, v2, vm0, $0xb8;
	[tilespmem:$0x10400] =	vst v63  }
0x60: {  	s15 =	simm.s32 $0x4C00  }
0x61: {  	[tilespmem:s15], [sflag:$0x3] =	stream.indirect_vreg.gather [hbm4b:s6+s3], $0x80, v2, vm0, $0xb8;
	[tilespmem:$0x10400] =	vst v63  }
0x62: {  	s16 =	simm.s32 $0x5400  }
0x63: {  	[tilespmem:s16], [sflag:$0x3] =	stream.indirect_vreg.gather [hbm4b:s7+s3], $0x80, v2, vm0, $0xb8;
	[tilespmem:$0x10400] =	vst v63  }
0x64: {  	s18 =	simm.s32 $0x5C00  }
0x65: {  	[tilespmem:s18], [sflag:$0x3] =	stream.indirect_vreg.gather [hbm4b:s8+s3], $0x80, v2, vm0, $0xb8;
	[tilespmem:$0x10400] =	vst v63  }
0x66: {  	v2 =	vld.msk [tilespmem:$0x18], $0xff;
	_ =	sdelay $0x4  }
0x67: {  	v3 =	vshll.u32 v2, $0x3  }
0x68: {  	v2 =	vand.u32 $0x7, v2;
	v3 =	vand.u32 $0xFFFFFFC0, v3  }
0x69: {  	v2 =	vor.u32 v2, v3  }
0x6a: {  	v2 =	vperm.xlane v2, v0;
	_ =	sdelay $0x1  }
0x6b: {  	v2 =	vadd.s32 v1, v2;
	_ =	sdelay $0x4  }
0x6c: {  	[tilespmem:s31], [sflag:$0x4] =	stream.indirect_vreg.gather [hbm4b:s1+s3], $0x80, v2, vm0, $0xb8;
	[tilespmem:$0x10400] =	vst v63  }
0x6d: {  	s2 =	simm.s32 $0x6C00  }
0x6e: {  	[tilespmem:s2], [sflag:$0x4] =	stream.indirect_vreg.gather [hbm4b:s6+s3], $0x80, v2, vm0, $0xb8;
	[tilespmem:$0x10400] =	vst v63  }
0x6f: {  	s15 =	simm.s32 $0x7400  }
0x70: {  	[tilespmem:s15], [sflag:$0x4] =	stream.indirect_vreg.gather [hbm4b:s7+s3], $0x80, v2, vm0, $0xb8;
	[tilespmem:$0x10400] =	vst v63  }
0x71: {  	s16 =	simm.s32 $0x7C00  }
0x72: {  	[tilespmem:s16], [sflag:$0x4] =	stream.indirect_vreg.gather [hbm4b:s8+s3], $0x80, v2, vm0, $0xb8;
	[tilespmem:$0x10400] =	vst v63  }
0x73: {  	v2 =	vld.msk [tilespmem:$0x20], $0xff;
	_ =	sdelay $0x4  }
0x74: {  	v3 =	vshll.u32 v2, $0x3  }
0x75: {  	v2 =	vand.u32 $0x7, v2;
	v3 =	vand.u32 $0xFFFFFFC0, v3  }
0x76: {  	v2 =	vor.u32 v2, v3  }
0x77: {  	v2 =	vperm.xlane v2, v0;
	_ =	sdelay $0x1  }
0x78: {  	v2 =	vadd.s32 v1, v2;
	_ =	sdelay $0x4  }
0x79: {  	[tilespmem:s17], [sflag:$0x5] =	stream.indirect_vreg.gather [hbm4b:s1+s3], $0x80, v2, vm0, $0xb8;
	[tilespmem:$0x10400] =	vst v63  }
0x7a: {  	s18 =	simm.s32 $0x8C00  }
0x7b: {  	[tilespmem:s18], [sflag:$0x5] =	stream.indirect_vreg.gather [hbm4b:s6+s3], $0x80, v2, vm0, $0xb8;
	[tilespmem:$0x10400] =	vst v63  }
0x7c: {  	s2 =	simm.s32 $0x9400  }
0x7d: {  	[tilespmem:s2], [sflag:$0x5] =	stream.indirect_vreg.gather [hbm4b:s7+s3], $0x80, v2, vm0, $0xb8;
	[tilespmem:$0x10400] =	vst v63  }
0x7e: {  	s15 =	simm.s32 $0x9C00  }
0x7f: {  	[tilespmem:s15], [sflag:$0x5] =	stream.indirect_vreg.gather [hbm4b:s8+s3], $0x80, v2, vm0, $0xb8;
	[tilespmem:$0x10400] =	vst v63  }
0x80: {  	v2 =	vld.msk [tilespmem:$0x28], $0xff;
	_ =	sdelay $0x4  }
0x81: {  	v3 =	vshll.u32 v2, $0x3  }
0x82: {  	v2 =	vand.u32 $0x7, v2;
	v3 =	vand.u32 $0xFFFFFFC0, v3  }
0x83: {  	v2 =	vor.u32 v2, v3  }
0x84: {  	v2 =	vperm.xlane v2, v0;
	_ =	sdelay $0x1  }
0x85: {  	v2 =	vadd.s32 v1, v2;
	_ =	sdelay $0x4  }
0x86: {  	[tilespmem:s23], [sflag:$0x6] =	stream.indirect_vreg.gather [hbm4b:s1+s3], $0x80, v2, vm0, $0xb8;
	[tilespmem:$0x10400] =	vst v63  }
0x87: {  	s16 =	simm.s32 $0xAC00  }
0x88: {  	[tilespmem:s16], [sflag:$0x6] =	stream.indirect_vreg.gather [hbm4b:s6+s3], $0x80, v2, vm0, $0xb8;
	[tilespmem:$0x10400] =	vst v63  }
0x89: {  	s18 =	simm.s32 $0xB400  }
0x8a: {  	[tilespmem:s18], [sflag:$0x6] =	stream.indirect_vreg.gather [hbm4b:s7+s3], $0x80, v2, vm0, $0xb8;
	[tilespmem:$0x10400] =	vst v63  }
0x8b: {  	s2 =	simm.s32 $0xBC00  }
0x8c: {  	[tilespmem:s2], [sflag:$0x6] =	stream.indirect_vreg.gather [hbm4b:s8+s3], $0x80, v2, vm0, $0xb8;
	[tilespmem:$0x10400] =	vst v63  }
0x8d: {  	v2 =	vld.msk [tilespmem:$0x30], $0xff;
	_ =	sdelay $0x4  }
0x8e: {  	v3 =	vshll.u32 v2, $0x3  }
0x8f: {  	v2 =	vand.u32 $0x7, v2;
	v3 =	vand.u32 $0xFFFFFFC0, v3  }
0x90: {  	v2 =	vor.u32 v2, v3  }
0x91: {  	v2 =	vperm.xlane v2, v0;
	_ =	sdelay $0x1  }
0x92: {  	v2 =	vadd.s32 v1, v2;
	_ =	sdelay $0x4  }
0x93: {  	[tilespmem:s29], [sflag:$0x7] =	stream.indirect_vreg.gather [hbm4b:s1+s3], $0x80, v2, vm0, $0xb8;
	[tilespmem:$0x10400] =	vst v63  }
0x94: {  	s15 =	simm.s32 $0xCC00  }
0x95: {  	[tilespmem:s15], [sflag:$0x7] =	stream.indirect_vreg.gather [hbm4b:s6+s3], $0x80, v2, vm0, $0xb8;
	[tilespmem:$0x10400] =	vst v63  }
0x96: {  	s16 =	simm.s32 $0xD400  }
0x97: {  	[tilespmem:s16], [sflag:$0x7] =	stream.indirect_vreg.gather [hbm4b:s7+s3], $0x80, v2, vm0, $0xb8;
	[tilespmem:$0x10400] =	vst v63  }
0x98: {  	s18 =	simm.s32 $0xDC00  }
0x99: {  	[tilespmem:s18], [sflag:$0x7] =	stream.indirect_vreg.gather [hbm4b:s8+s3], $0x80, v2, vm0, $0xb8;
	[tilespmem:$0x10400] =	vst v63  }
0x9a: {  	v2 =	vld.msk [tilespmem:$0x38], $0xff;
	_ =	sdelay $0x4  }
0x9b: {  	v3 =	vshll.u32 v2, $0x3  }
0x9c: {  	v2 =	vand.u32 $0x7, v2;
	v3 =	vand.u32 $0xFFFFFFC0, v3  }
0x9d: {  	v2 =	vor.u32 v2, v3  }
0x9e: {  	v2 =	vperm.xlane v2, v0;
	_ =	sdelay $0x1  }
0x9f: {  	v2 =	vadd.s32 v1, v2;
	_ =	sdelay $0x4  }
0xa0: {  	[tilespmem:s21], [sflag:$0x8] =	stream.indirect_vreg.gather [hbm4b:s1+s3], $0x80, v2, vm0, $0xb8;
	[tilespmem:$0x10400] =	vst v63  }
0xa1: {  	s2 =	simm.s32 $0xEC00  }
0xa2: {  	[tilespmem:s2], [sflag:$0x8] =	stream.indirect_vreg.gather [hbm4b:s6+s3], $0x80, v2, vm0, $0xb8;
	[tilespmem:$0x10400] =	vst v63  }
0xa3: {  	s15 =	simm.s32 $0xF400  }
0xa4: {  	[tilespmem:s15], [sflag:$0x8] =	stream.indirect_vreg.gather [hbm4b:s7+s3], $0x80, v2, vm0, $0xb8;
	[tilespmem:$0x10400] =	vst v63  }
0xa5: {  	s16 =	simm.s32 $0xFC00;
	s18 =	simm.s32 $0x11  }
0xa6: {  	[tilespmem:s16], [sflag:$0x8] =	stream.indirect_vreg.gather [hbm4b:s8+s3], $0x80, v2, vm0, $0xb8;
	[tilespmem:$0x10400] =	vst v63  }
0xa7: {  	_ =	swait.ge [sflag:s18], $0x380  }
0xa8: {  	[sflag:s18] =	ssyncset.done $0x0  }
0xa9: {  	s15 =	simm.s32 $0x30;
	[sflag:s18] =	ssyncadd.s32 $0xFFFFFC80;
	s18 =	simm.s32 $0x0  }
.LBB2_2:
0xaa: {  	_ =	swait.ge [sflag:s19], $0x2000  }
0xab: {  	s2 =	sadd.s32 s18, s12;
	[sflag:s19] =	ssyncset.done $0x0  }
0xac: {  	s0 =	simm.s32 $0x400;
	p0 =	seq.s32 s18, $0x0;
	[sflag:s19] =	ssyncadd.s32 $0xFFFFE000  }
0xad: {  	[hbm4b:s2+s3] =	stream.linear.scatter [tilespmem:s0], [sflag:$0x9], $0x2000, $0x38;
	[tilespmem:$0x10400] =	vst v63  }
0xae: {  	s0 =	simm.s32 @!p0 $0xD  }
0xaf: {  	_ =	swait.ge @!p0 [sflag:s0], $0x2000  }
0xb0: {  	[sflag:s0] =	ssyncset.done @!p0 $0x0  }
0xb1: {  	[sflag:s0] =	ssyncadd.s32 @!p0 $0xFFFFE000  }
0xb2: {  	v2 =	vld.msk @!p0 [tilespmem:s15+$0xFFFFFFF0], $0xff;
	_ =	sdelay $0x4  }
0xb3: {  	v3 =	vshll.u32 @!p0 v2, $0x3  }
0xb4: {  	v4 =	vlaneseq.u32 @!p0;
	v2 =	vand.u32 @!p0 $0x7, v2;
	v3 =	vand.u32 @!p0 $0xFFFFFFC0, v3  }
0xb5: {  	v2 =	vor.u32 @!p0 v2, v3;
	v3 =	vand.u32 @!p0 $0x7, v4;
	v4 =	vshrl.u32 @!p0 v4, $0x3  }
0xb6: {  	v2 =	vperm.xlane @!p0 v2, v3;
	v4 =	vmul.u32 @!p0 $0x8, v4;
	_ =	sdelay $0x1  }
0xb7: {  	v2 =	vadd.s32 @!p0 v4, v2;
	_ =	sdelay $0x3  }
0xb8: {  	vm1 =	vmmov @!p0 $0xffff;
	s16 =	simm.s32 @!p0 $0x8400;
	s0 =	simm.s32 @!p0 $0x0  }
0xb9: {  	[tilespmem:s16], [sflag:$0x5] =	stream.indirect_vreg.gather @!p0 [hbm4b:s1+s0], $0x80, v2, vm1, $0xb8;
	[tilespmem:$0x10400] =	vst v63  }
0xba: {  	s16 =	simm.s32 @!p0 $0x8C00  }
0xbb: {  	[tilespmem:s16], [sflag:$0x5] =	stream.indirect_vreg.gather @!p0 [hbm4b:s6+s0], $0x80, v2, vm1, $0xb8;
	[tilespmem:$0x10400] =	vst v63  }
0xbc: {  	s16 =	simm.s32 @!p0 $0x9400  }
0xbd: {  	[tilespmem:s16], [sflag:$0x5] =	stream.indirect_vreg.gather @!p0 [hbm4b:s7+s0], $0x80, v2, vm1, $0xb8;
	[tilespmem:$0x10400] =	vst v63  }
0xbe: {  	s16 =	simm.s32 @!p0 $0x9C00  }
0xbf: {  	[tilespmem:s16], [sflag:$0x5] =	stream.indirect_vreg.gather @!p0 [hbm4b:s8+s0], $0x80, v2, vm1, $0xb8;
	[tilespmem:$0x10400] =	vst v63  }
0xc0: {  	_ =	swait.ge [sflag:s20], $0x2000  }
0xc1: {  	[sflag:s20] =	ssyncset.done $0x0  }
0xc2: {  	s16 =	sadd.s32 $0x400, s2;
	[sflag:s20] =	ssyncadd.s32 $0xFFFFE000  }
0xc3: {  	[hbm4b:s16+s3] =	stream.linear.scatter [tilespmem:s22], [sflag:$0xA], $0x2000, $0x38;
	[tilespmem:$0x10400] =	vst v63  }
0xc4: {  	s16 =	simm.s32 @!p0 $0xE  }
0xc5: {  	_ =	swait.ge @!p0 [sflag:s16], $0x2000  }
0xc6: {  	[sflag:s16] =	ssyncset.done @!p0 $0x0  }
0xc7: {  	[sflag:s16] =	ssyncadd.s32 @!p0 $0xFFFFE000  }
0xc8: {  	v2 =	vld.msk @!p0 [tilespmem:s15+$0xFFFFFFF8], $0xff;
	_ =	sdelay $0x4  }
0xc9: {  	v5 =	vshll.u32 @!p0 v2, $0x3  }
0xca: {  	v2 =	vand.u32 @!p0 $0x7, v2;
	v5 =	vand.u32 @!p0 $0xFFFFFFC0, v5  }
0xcb: {  	v2 =	vor.u32 @!p0 v2, v5  }
0xcc: {  	v2 =	vperm.xlane @!p0 v2, v3;
	_ =	sdelay $0x1  }
0xcd: {  	v2 =	vadd.s32 @!p0 v4, v2;
	_ =	sdelay $0x3  }
0xce: {  	s16 =	simm.s32 @!p0 $0xA400  }
0xcf: {  	[tilespmem:s16], [sflag:$0x6] =	stream.indirect_vreg.gather @!p0 [hbm4b:s1+s0], $0x80, v2, vm1, $0xb8;
	[tilespmem:$0x10400] =	vst v63  }
0xd0: {  	s16 =	simm.s32 @!p0 $0xAC00  }
0xd1: {  	[tilespmem:s16], [sflag:$0x6] =	stream.indirect_vreg.gather @!p0 [hbm4b:s6+s0], $0x80, v2, vm1, $0xb8;
	[tilespmem:$0x10400] =	vst v63  }
0xd2: {  	s16 =	simm.s32 @!p0 $0xB400  }
0xd3: {  	[tilespmem:s16], [sflag:$0x6] =	stream.indirect_vreg.gather @!p0 [hbm4b:s7+s0], $0x80, v2, vm1, $0xb8;
	[tilespmem:$0x10400] =	vst v63  }
0xd4: {  	s16 =	simm.s32 @!p0 $0xBC00  }
0xd5: {  	[tilespmem:s16], [sflag:$0x6] =	stream.indirect_vreg.gather @!p0 [hbm4b:s8+s0], $0x80, v2, vm1, $0xb8;
	[tilespmem:$0x10400] =	vst v63  }
0xd6: {  	_ =	swait.ge [sflag:s24], $0x2000  }
0xd7: {  	[sflag:s24] =	ssyncset.done $0x0  }
0xd8: {  	s16 =	sadd.s32 $0x800, s2;
	[sflag:s24] =	ssyncadd.s32 $0xFFFFE000  }
0xd9: {  	[hbm4b:s16+s3] =	stream.linear.scatter [tilespmem:s26], [sflag:$0xB], $0x2000, $0x38;
	[tilespmem:$0x10400] =	vst v63  }
0xda: {  	s16 =	simm.s32 @!p0 $0xF  }
0xdb: {  	_ =	swait.ge @!p0 [sflag:s16], $0x2000  }
0xdc: {  	[sflag:s16] =	ssyncset.done @!p0 $0x0  }
0xdd: {  	[sflag:s16] =	ssyncadd.s32 @!p0 $0xFFFFE000  }
0xde: {  	v2 =	vld.msk @!p0 [tilespmem:s15+$0x0], $0xff;
	_ =	sdelay $0x4  }
0xdf: {  	v5 =	vshll.u32 @!p0 v2, $0x3  }
0xe0: {  	v2 =	vand.u32 @!p0 $0x7, v2;
	v5 =	vand.u32 @!p0 $0xFFFFFFC0, v5  }
0xe1: {  	v2 =	vor.u32 @!p0 v2, v5  }
0xe2: {  	v2 =	vperm.xlane @!p0 v2, v3;
	_ =	sdelay $0x1  }
0xe3: {  	v2 =	vadd.s32 @!p0 v4, v2;
	_ =	sdelay $0x3  }
0xe4: {  	s16 =	simm.s32 @!p0 $0xC400  }
0xe5: {  	[tilespmem:s16], [sflag:$0x7] =	stream.indirect_vreg.gather @!p0 [hbm4b:s1+s0], $0x80, v2, vm1, $0xb8;
	[tilespmem:$0x10400] =	vst v63  }
0xe6: {  	s16 =	simm.s32 @!p0 $0xCC00  }
0xe7: {  	[tilespmem:s16], [sflag:$0x7] =	stream.indirect_vreg.gather @!p0 [hbm4b:s6+s0], $0x80, v2, vm1, $0xb8;
	[tilespmem:$0x10400] =	vst v63  }
0xe8: {  	s16 =	simm.s32 @!p0 $0xD400  }
0xe9: {  	[tilespmem:s16], [sflag:$0x7] =	stream.indirect_vreg.gather @!p0 [hbm4b:s7+s0], $0x80, v2, vm1, $0xb8;
	[tilespmem:$0x10400] =	vst v63  }
0xea: {  	s16 =	simm.s32 @!p0 $0xDC00  }
0xeb: {  	[tilespmem:s16], [sflag:$0x7] =	stream.indirect_vreg.gather @!p0 [hbm4b:s8+s0], $0x80, v2, vm1, $0xb8;
	[tilespmem:$0x10400] =	vst v63  }
0xec: {  	_ =	swait.ge [sflag:s25], $0x2000  }
0xed: {  	[sflag:s25] =	ssyncset.done $0x0  }
0xee: {  	s2 =	sadd.s32 $0xC00, s2;
	[sflag:s25] =	ssyncadd.s32 $0xFFFFE000  }
0xef: {  	[hbm4b:s2+s3] =	stream.linear.scatter [tilespmem:s31], [sflag:$0xC], $0x2000, $0x38;
	[tilespmem:$0x10400] =	vst v63  }
0xf0: {  	s2 =	simm.s32 @!p0 $0x10  }
0xf1: {  	_ =	swait.ge @!p0 [sflag:s2], $0x2000  }
0xf2: {  	[sflag:s2] =	ssyncset.done @!p0 $0x0  }
0xf3: {  	[sflag:s2] =	ssyncadd.s32 @!p0 $0xFFFFE000  }
0xf4: {  	v2 =	vld.msk @!p0 [tilespmem:s15+$0x8], $0xff;
	_ =	sdelay $0x4  }
0xf5: {  	v5 =	vshll.u32 @!p0 v2, $0x3  }
0xf6: {  	v2 =	vand.u32 @!p0 $0x7, v2;
	v5 =	vand.u32 @!p0 $0xFFFFFFC0, v5  }
0xf7: {  	v2 =	vor.u32 @!p0 v2, v5  }
0xf8: {  	v2 =	vperm.xlane @!p0 v2, v3;
	_ =	sdelay $0x1  }
0xf9: {  	v2 =	vadd.s32 @!p0 v4, v2;
	_ =	sdelay $0x3  }
0xfa: {  	s2 =	simm.s32 @!p0 $0xE400  }
0xfb: {  	[tilespmem:s2], [sflag:$0x8] =	stream.indirect_vreg.gather @!p0 [hbm4b:s1+s0], $0x80, v2, vm1, $0xb8;
	[tilespmem:$0x10400] =	vst v63  }
0xfc: {  	s2 =	simm.s32 @!p0 $0xEC00  }
0xfd: {  	[tilespmem:s2], [sflag:$0x8] =	stream.indirect_vreg.gather @!p0 [hbm4b:s6+s0], $0x80, v2, vm1, $0xb8;
	[tilespmem:$0x10400] =	vst v63  }
0xfe: {  	s2 =	simm.s32 @!p0 $0xF400  }
0xff: {  	[tilespmem:s2], [sflag:$0x8] =	stream.indirect_vreg.gather @!p0 [hbm4b:s7+s0], $0x80, v2, vm1, $0xb8;
	[tilespmem:$0x10400] =	vst v63  }
0x100: {  	s2 =	simm.s32 @!p0 $0xFC00  }
0x101: {  	[tilespmem:s2], [sflag:$0x8] =	stream.indirect_vreg.gather @!p0 [hbm4b:s8+s0], $0x80, v2, vm1, $0xb8;
	[tilespmem:$0x10400] =	vst v63  }
0x102: {  	_ =	swait.ge [sflag:s28], $0x2000  }
0x103: {  	p0 =	seq.s32 s18, $0x1E000;
	[sflag:s28] =	ssyncset.done $0x0  }
0x104: {  	s2 =	sadd.s32 s18, s10;
	s0 =	simm.s32 @!p0 $0x9;
	[sflag:s28] =	ssyncadd.s32 $0xFFFFE000  }
0x105: {  	[hbm4b:s2+s3] =	stream.linear.scatter [tilespmem:s17], [sflag:$0xD], $0x2000, $0x38;
	[tilespmem:$0x10400] =	vst v63  }
0x106: {  	_ =	swait.ge @!p0 [sflag:s0], $0x2000  }
0x107: {  	[sflag:s0] =	ssyncset.done @!p0 $0x0  }
0x108: {  	[sflag:s0] =	ssyncadd.s32 @!p0 $0xFFFFE000  }
0x109: {  	v2 =	vld.msk @!p0 [tilespmem:s15+$0x10], $0xff;
	_ =	sdelay $0x4  }
0x10a: {  	v3 =	vshll.u32 @!p0 v2, $0x3  }
0x10b: {  	v4 =	vlaneseq.u32 @!p0;
	v2 =	vand.u32 @!p0 $0x7, v2;
	v3 =	vand.u32 @!p0 $0xFFFFFFC0, v3  }
0x10c: {  	v2 =	vor.u32 @!p0 v2, v3;
	v3 =	vand.u32 @!p0 $0x7, v4;
	v4 =	vshrl.u32 @!p0 v4, $0x3  }
0x10d: {  	v2 =	vperm.xlane @!p0 v2, v3;
	v4 =	vmul.u32 @!p0 $0x8, v4;
	_ =	sdelay $0x1  }
0x10e: {  	v2 =	vadd.s32 @!p0 v4, v2;
	_ =	sdelay $0x3  }
0x10f: {  	vm1 =	vmmov @!p0 $0xffff;
	s2 =	simm.s32 @!p0 $0x400;
	s0 =	simm.s32 @!p0 $0x0  }
0x110: {  	[tilespmem:s2], [sflag:$0x1] =	stream.indirect_vreg.gather @!p0 [hbm4b:s1+s0], $0x80, v2, vm1, $0xb8;
	[tilespmem:$0x10400] =	vst v63  }
0x111: {  	s2 =	simm.s32 @!p0 $0xC00  }
0x112: {  	[tilespmem:s2], [sflag:$0x1] =	stream.indirect_vreg.gather @!p0 [hbm4b:s6+s0], $0x80, v2, vm1, $0xb8;
	[tilespmem:$0x10400] =	vst v63  }
0x113: {  	s2 =	simm.s32 @!p0 $0x1400  }
0x114: {  	[tilespmem:s2], [sflag:$0x1] =	stream.indirect_vreg.gather @!p0 [hbm4b:s7+s0], $0x80, v2, vm1, $0xb8;
	[tilespmem:$0x10400] =	vst v63  }
0x115: {  	s2 =	simm.s32 @!p0 $0x1C00  }
0x116: {  	[tilespmem:s2], [sflag:$0x1] =	stream.indirect_vreg.gather @!p0 [hbm4b:s8+s0], $0x80, v2, vm1, $0xb8;
	[tilespmem:$0x10400] =	vst v63  }
0x117: {  	_ =	swait.ge [sflag:s5], $0x2000  }
0x118: {  	[sflag:s5] =	ssyncset.done $0x0  }
0x119: {  	s16 =	sadd.s32 s18, s11;
	s2 =	simm.s32 @!p0 $0xA;
	[sflag:s5] =	ssyncadd.s32 $0xFFFFE000  }
0x11a: {  	[hbm4b:s16+s3] =	stream.linear.scatter [tilespmem:s23], [sflag:$0xE], $0x2000, $0x38;
	[tilespmem:$0x10400] =	vst v63  }
0x11b: {  	_ =	swait.ge @!p0 [sflag:s2], $0x2000  }
0x11c: {  	[sflag:s2] =	ssyncset.done @!p0 $0x0  }
0x11d: {  	[sflag:s2] =	ssyncadd.s32 @!p0 $0xFFFFE000  }
0x11e: {  	v2 =	vld.msk @!p0 [tilespmem:s15+$0x18], $0xff;
	_ =	sdelay $0x4  }
0x11f: {  	v5 =	vshll.u32 @!p0 v2, $0x3  }
0x120: {  	v2 =	vand.u32 @!p0 $0x7, v2;
	v5 =	vand.u32 @!p0 $0xFFFFFFC0, v5  }
0x121: {  	v2 =	vor.u32 @!p0 v2, v5  }
0x122: {  	v2 =	vperm.xlane @!p0 v2, v3;
	_ =	sdelay $0x1  }
0x123: {  	v2 =	vadd.s32 @!p0 v4, v2;
	_ =	sdelay $0x3  }
0x124: {  	s2 =	simm.s32 @!p0 $0x2400  }
0x125: {  	[tilespmem:s2], [sflag:$0x2] =	stream.indirect_vreg.gather @!p0 [hbm4b:s1+s0], $0x80, v2, vm1, $0xb8;
	[tilespmem:$0x10400] =	vst v63  }
0x126: {  	s2 =	simm.s32 @!p0 $0x2C00  }
0x127: {  	[tilespmem:s2], [sflag:$0x2] =	stream.indirect_vreg.gather @!p0 [hbm4b:s6+s0], $0x80, v2, vm1, $0xb8;
	[tilespmem:$0x10400] =	vst v63  }
0x128: {  	s2 =	simm.s32 @!p0 $0x3400  }
0x129: {  	[tilespmem:s2], [sflag:$0x2] =	stream.indirect_vreg.gather @!p0 [hbm4b:s7+s0], $0x80, v2, vm1, $0xb8;
	[tilespmem:$0x10400] =	vst v63  }
0x12a: {  	s2 =	simm.s32 @!p0 $0x3C00  }
0x12b: {  	[tilespmem:s2], [sflag:$0x2] =	stream.indirect_vreg.gather @!p0 [hbm4b:s8+s0], $0x80, v2, vm1, $0xb8;
	[tilespmem:$0x10400] =	vst v63  }
0x12c: {  	_ =	swait.ge [sflag:s9], $0x2000  }
0x12d: {  	[sflag:s9] =	ssyncset.done $0x0  }
0x12e: {  	s16 =	sadd.s32 s18, s14;
	s2 =	simm.s32 @!p0 $0xB;
	[sflag:s9] =	ssyncadd.s32 $0xFFFFE000  }
0x12f: {  	[hbm4b:s16+s3] =	stream.linear.scatter [tilespmem:s29], [sflag:$0xF], $0x2000, $0x38;
	[tilespmem:$0x10400] =	vst v63  }
0x130: {  	_ =	swait.ge @!p0 [sflag:s2], $0x2000  }
0x131: {  	[sflag:s2] =	ssyncset.done @!p0 $0x0  }
0x132: {  	[sflag:s2] =	ssyncadd.s32 @!p0 $0xFFFFE000  }
0x133: {  	v2 =	vld.msk @!p0 [tilespmem:s15+$0x20], $0xff;
	_ =	sdelay $0x4  }
0x134: {  	v5 =	vshll.u32 @!p0 v2, $0x3  }
0x135: {  	v2 =	vand.u32 @!p0 $0x7, v2;
	v5 =	vand.u32 @!p0 $0xFFFFFFC0, v5  }
0x136: {  	v2 =	vor.u32 @!p0 v2, v5  }
0x137: {  	v2 =	vperm.xlane @!p0 v2, v3;
	_ =	sdelay $0x1  }
0x138: {  	v2 =	vadd.s32 @!p0 v4, v2;
	_ =	sdelay $0x3  }
0x139: {  	s2 =	simm.s32 @!p0 $0x4400  }
0x13a: {  	[tilespmem:s2], [sflag:$0x3] =	stream.indirect_vreg.gather @!p0 [hbm4b:s1+s0], $0x80, v2, vm1, $0xb8;
	[tilespmem:$0x10400] =	vst v63  }
0x13b: {  	s2 =	simm.s32 @!p0 $0x4C00  }
0x13c: {  	[tilespmem:s2], [sflag:$0x3] =	stream.indirect_vreg.gather @!p0 [hbm4b:s6+s0], $0x80, v2, vm1, $0xb8;
	[tilespmem:$0x10400] =	vst v63  }
0x13d: {  	s2 =	simm.s32 @!p0 $0x5400  }
0x13e: {  	[tilespmem:s2], [sflag:$0x3] =	stream.indirect_vreg.gather @!p0 [hbm4b:s7+s0], $0x80, v2, vm1, $0xb8;
	[tilespmem:$0x10400] =	vst v63  }
0x13f: {  	s2 =	simm.s32 @!p0 $0x5C00  }
0x140: {  	[tilespmem:s2], [sflag:$0x3] =	stream.indirect_vreg.gather @!p0 [hbm4b:s8+s0], $0x80, v2, vm1, $0xb8;
	[tilespmem:$0x10400] =	vst v63  }
.Ltmp2:
0x141: {  	_ = 	snop;
	(pc) =	sbr.rel @p0 .LBB2_4-.Ltmp2, $4  }
0x142: {  	_ =	swait.ge [sflag:s4], $0x2000  }
0x143: {  	[sflag:s4] =	ssyncset.done $0x0  }
0x144: {  	s16 =	sadd.s32 s18, s13;
	[sflag:s4] =	ssyncadd.s32 $0xFFFFE000  }
0x145: {  	[hbm4b:s16+s3] =	stream.linear.scatter [tilespmem:s21], [sflag:$0x10], $0x2000, $0x38;
	[tilespmem:$0x10400] =	vst v63  }
0x146: {  	_ =	swait.ge [sflag:s30], $0x2000  }
0x147: {  	[sflag:s30] =	ssyncset.done $0x0  }
0x148: {  	[sflag:s30] =	ssyncadd.s32 $0xFFFFE000  }
0x149: {  	v2 =	vld.msk [tilespmem:s15+$0x28], $0xff;
	_ =	sdelay $0x4  }
0x14a: {  	v3 =	vshll.u32 v2, $0x3  }
0x14b: {  	v2 =	vand.u32 $0x7, v2;
	v3 =	vand.u32 $0xFFFFFFC0, v3  }
0x14c: {  	v2 =	vor.u32 v2, v3  }
0x14d: {  	v2 =	vperm.xlane v2, v0;
	_ =	sdelay $0x1  }
0x14e: {  	v2 =	vadd.s32 v1, v2;
	_ =	sdelay $0x4  }
0x14f: {  	[tilespmem:s31], [sflag:$0x4] =	stream.indirect_vreg.gather [hbm4b:s1+s3], $0x80, v2, vm0, $0xb8;
	[tilespmem:$0x10400] =	vst v63  }
0x150: {  	s0 =	simm.s32 $0x6C00  }
0x151: {  	[tilespmem:s0], [sflag:$0x4] =	stream.indirect_vreg.gather [hbm4b:s6+s3], $0x80, v2, vm0, $0xb8;
	[tilespmem:$0x10400] =	vst v63  }
.Ltmp3:
0x152: {  	_ = 	snop;
	(pc) =	sbr.rel .LBB2_2-.Ltmp3, $4  }
0x153: {  	s2 =	simm.s32 $0x7400  }
0x154: {  	[tilespmem:s2], [sflag:$0x4] =	stream.indirect_vreg.gather [hbm4b:s7+s3], $0x80, v2, vm0, $0xb8;
	[tilespmem:$0x10400] =	vst v63  }
0x155: {  	s16 =	simm.s32 $0x7C00;
	s18 =	sadd.s32 $0x2000, s18;
	s15 =	sadd.s32 $0x40, s15  }
0x156: {  	[tilespmem:s16], [sflag:$0x4] =	stream.indirect_vreg.gather [hbm4b:s8+s3], $0x80, v2, vm0, $0xb8;
	[tilespmem:$0x10400] =	vst v63  }
.LBB2_5:
0x157: {  	_ =	sfence.sel $0x180000  }
0x158: {  	[bflag:$0x0] =	sbarrier.arrive $0xFFFF  }
0x159: {  	_ =	strace $0x90000047  }
0x15a: {  	s0 =	stileid.u32;
	[bflag:$0x2] =	sbarrier.arrive $0xFFFF  }
0x15b: {  	p0 =	sne.s32 s0, $0x0;
	s0 =	rddreg [dreg:$0x3]  }
0x15c: {  	s0 =	sadd.s32 @!p0 $0x100000, s0  }
0x15d: {  	[sflag:s0] =	ssyncadd.tile.s32 @!p0 $0x1;
	_ =	shalt  }
.Lfunc_end2:
_tile_overlayer_lowered:
.L_overlay_start_2:
0x15e: {  	(tag) =	ssettag $0x2  }
0x15f: {  	s0 =	rddreg [dreg:$0x0];
	s2 =	stileid.u32  }
0x160: {  	s1 =	rddreg [dreg:$0x1];
	p0 =	sne.s32 s2, $0x0  }
0x161: {  	s3 =	rddreg [dreg:$0x2];
	[bflag:$0x3] =	sbarrier.arrive $0xFFFF;
	s2 =	simm.s32 @!p0 $0x1C12  }
0x162: {  	[timem:s3], [sflag:s2] =	dma.local @!p0 [hbm:s0], s1  }
0x163: {  	s0 =	simm.s32 @!p0 $0x12  }
0x164: {  	_ =	swait.ge @!p0 [sflag:s0], s1  }
0x165: {  	s1 =	ssub.s32 @!p0 $0x0, s1;
	[sflag:s0] =	ssyncset.done @!p0 $0x0  }
0x166: {  	[sflag:s0] =	ssyncadd.s32 @!p0 s1  }
0x167: {  	[bflag:$0x3] =	sbarrier.arrive $0xFFFF  }
0x168: {  	_ =	shalt  }

</sc_bundles>
